<compile_context>
chip_gen: v7x
topology: tpu7x:2x2x1
jax: 0.10.2.dev20260603
libtpu: 0.0.44.dev20260713+nightly
codegen_flags: <defaults>
</compile_context>

<pallas_src>
import jax
import jax.numpy as jnp
from jax import lax
from jax.experimental import pallas as pl
from jax.experimental.pallas import tpu as pltpu
from jax.experimental.pallas import tpu_sc as plsc

N = 10000
E = 320000
DN = 128
DE = 16
DG = 128
DH = DN // 2
DT = DH + DE

NC = 2
NS = 16
EPT = E // NS
K = 80
NCH = EPT // K
N_PAD = 10240
RPT = N_PAD // NS
NG = DT // 16

_E_BLK = 6400
_E_GRID = E // _E_BLK


def _edges_pre_body(e_ref, w_ref, b_ref, c_ref, esum_ref):
    blk = e_ref[...]
    full = jnp.dot(blk, w_ref[...], preferred_element_type=jnp.float32) + b_ref[...]
    ce = full[:, DN:]
    c_ref[0] = jnp.concatenate([full[:, :DH], ce], axis=1)
    c_ref[1] = jnp.concatenate([full[:, DH:DN], ce], axis=1)

    @pl.when(pl.program_id(0) == 0)
    def _():
        esum_ref[...] = jnp.zeros_like(esum_ref)

    esum_ref[...] += jnp.sum(blk, axis=0, keepdims=True)


_edges_pre = pl.pallas_call(
    _edges_pre_body,
    grid=(_E_GRID,),
    in_specs=[
        pl.BlockSpec((_E_BLK, DE), lambda i: (i, 0)),
        pl.BlockSpec((DE, DN + DE), lambda i: (0, 0)),
        pl.BlockSpec((1, DN + DE), lambda i: (0, 0)),
    ],
    out_specs=[
        pl.BlockSpec((2, _E_BLK, DT), lambda i: (0, i, 0)),
        pl.BlockSpec((1, DE), lambda i: (0, 0)),
    ],
    out_shape=[
        jax.ShapeDtypeStruct((2, E, DT), jnp.float32),
        jax.ShapeDtypeStruct((1, DE), jnp.float32),
    ],
)


def _leaky(x):
    return jnp.where(x >= 0, x, 0.01 * x)


def _tables_body(nodes_ref, wsn_ref, wse_ref, wrn_ref, wre_ref, esum_ref,
                 glob_ref, wgn_ref, bgn_ref, wge_ref, bge_ref, wgg_ref,
                 bgg_ref, wf_ref, bf_ref, ts_ref, tr_ref, gout_ref):
    nd = nodes_ref[...]
    a_s = jnp.dot(nd, wsn_ref[...], preferred_element_type=jnp.float32)
    e_s = jnp.dot(nd, wse_ref[...], preferred_element_type=jnp.float32)
    a_r = jnp.dot(nd, wrn_ref[...], preferred_element_type=jnp.float32)
    e_r = jnp.dot(nd, wre_ref[...], preferred_element_type=jnp.float32)
    ts_ref[...] = jnp.concatenate(
        [jnp.concatenate([a_s[:, :DH], e_s], axis=1),
         jnp.concatenate([a_s[:, DH:], e_s], axis=1)], axis=0)
    tr_ref[...] = jnp.concatenate(
        [jnp.concatenate([a_r[:, :DH], e_r], axis=1),
         jnp.concatenate([a_r[:, DH:], e_r], axis=1)], axis=0)
    nsum = jnp.sum(nd, axis=0, keepdims=True)
    tmp_node = _leaky(
        jnp.dot(nsum, wgn_ref[...], preferred_element_type=jnp.float32) + bgn_ref[...])
    tmp_edge = _leaky(
        jnp.dot(esum_ref[...], wge_ref[...], preferred_element_type=jnp.float32)
        + bge_ref[...])
    tmp_glob = _leaky(
        jnp.dot(glob_ref[...], wgg_ref[...], preferred_element_type=jnp.float32)
        + bgg_ref[...])
    fargs = jnp.concatenate([tmp_glob, tmp_node, tmp_edge], axis=1)
    gout_ref[...] = _leaky(
        jnp.dot(fargs, wf_ref[...], preferred_element_type=jnp.float32) + bf_ref[...])


_tables = pl.pallas_call(
    _tables_body,
    out_shape=[
        jax.ShapeDtypeStruct((2 * N, DT), jnp.float32),
        jax.ShapeDtypeStruct((2 * N, DT), jnp.float32),
        jax.ShapeDtypeStruct((1, DG), jnp.float32),
    ],
)


def _sc_body(ts_hbm, tr_hbm, c_hbm, snda_hbm, rcva_hbm, rcv_hbm,
             eout_hbm, nout_hbm,
             idx_sa, idx_ra, idx_r0, idx_r1, s_buf0, s_buf1, r_buf0, r_buf1,
             c_buf0, c_buf1, accum,
             sem_g0, sem_g1, sem_l0, sem_l1, sem_ir0, sem_ir1,
             sem_sc0, sem_sc1, sem_eo0, sem_eo1):
    cid = lax.axis_index("c")
    sid = lax.axis_index("s")
    row0 = sid * RPT

    idx_rs = (idx_r0, idx_r1)
    s_bufs = (s_buf0, s_buf1)
    r_bufs = (r_buf0, r_buf1)
    c_bufs = (c_buf0, c_buf1)
    sem_gs = (sem_g0, sem_g1)
    sem_ls = (sem_l0, sem_l1)
    sem_irs = (sem_ir0, sem_ir1)
    sem_scs = (sem_sc0, sem_sc1)
    sem_eos = (sem_eo0, sem_eo1)

    ebase = sid * EPT

    def _zrow(i, _):
        for g in range(NG):
            c_buf0[i, pl.ds(g * 16, 16)] = jnp.zeros((16,), jnp.float32)
            c_buf1[i, pl.ds(g * 16, 16)] = jnp.zeros((16,), jnp.float32)
        return 0

    lax.fori_loop(0, K, _zrow, 0)
    for j in range(RPT // K):
        pltpu.sync_copy(c_buf0, accum.at[pl.ds(row0 + j * K, K)])

    pltpu.sync_copy(snda_hbm.at[cid, sid], idx_sa)
    pltpu.sync_copy(rcva_hbm.at[cid, sid], idx_ra)
    pltpu.sync_copy(rcv_hbm.at[sid, 0], idx_r1)
    plsc.subcore_barrier()

    def _issue_loads(i, b):
        pltpu.async_copy(rcv_hbm.at[sid, i], idx_rs[b], sem_irs[b])
        pltpu.async_copy(ts_hbm.at[idx_sa.at[i]], s_bufs[b], sem_gs[b])
        pltpu.async_copy(tr_hbm.at[idx_ra.at[i]], r_bufs[b], sem_gs[b])
        pltpu.async_copy(c_hbm.at[cid, pl.ds(ebase + i * K, K)], c_bufs[b],
                         sem_ls[b])

    def _wait_loads(b):
        pltpu.make_async_copy(ts_hbm.at[idx_sa.at[0]], s_bufs[b], sem_gs[b]).wait()
        pltpu.make_async_copy(tr_hbm.at[idx_ra.at[0]], r_bufs[b], sem_gs[b]).wait()
        pltpu.make_async_copy(c_hbm.at[cid, pl.ds(0, K)], c_bufs[b],
                              sem_ls[b]).wait()

    def _wait_ir(b):
        pltpu.make_async_copy(rcv_hbm.at[sid, 0], idx_rs[b], sem_irs[b]).wait()

    def _issue_stores(i, b):
        pltpu.async_copy(c_bufs[b], accum.at[idx_rs[b]], sem_scs[b], add=True)

        @pl.when(cid == 0)
        def _():
            pltpu.async_copy(c_bufs[b].at[:, pl.ds(DH, DE)],
                             eout_hbm.at[pl.ds(ebase + i * K, K)], sem_eos[b])

    def _wait_stores(b):
        pltpu.make_async_copy(c_bufs[b], accum.at[idx_rs[b]], sem_scs[b]).wait()

        @pl.when(cid == 0)
        def _():
            pltpu.make_async_copy(c_bufs[b].at[:, pl.ds(DH, DE)],
                                  eout_hbm.at[pl.ds(0, K)], sem_eos[b]).wait()

    def _compute(b):
        s_buf, r_buf, c_buf = s_bufs[b], r_bufs[b], c_bufs[b]

        def _edge(e, _):
            for g in range(NG):
                sl = pl.ds(g * 16, 16)
                x = c_buf[e, sl] + s_buf[e, sl] + r_buf[e, sl]
                c_buf[e, sl] = jnp.maximum(x, 0.01 * x)
            return 0

        lax.fori_loop(0, K, _edge, 0)

    pltpu.async_copy(c_buf1, accum.at[idx_r1], sem_sc1, add=True)

    @pl.when(cid == 0)
    def _():
        pltpu.async_copy(c_buf1.at[:, pl.ds(DH, DE)],
                         eout_hbm.at[pl.ds(ebase + K, K)], sem_eo1)

    _issue_loads(0, 0)

    def _body(i, b):
        _wait_loads(b)
        _wait_stores(1 - b)
        i_next = jnp.minimum(i + 1, NCH - 1)
        _issue_loads(i_next, 1 - b)
        _compute(b)
        _wait_ir(b)
        _issue_stores(i, b)

    def _pair(t, _):
        _body(2 * t, 0)
        _body(2 * t + 1, 1)
        return 0

    lax.fori_loop(0, NCH // 2, _pair, 0)
    _wait_stores(1)
    _wait_loads(0)
    _wait_ir(0)
    plsc.subcore_barrier()

    for j in range(RPT // K):
        row = row0 + j * K

        @pl.when(row + K <= N)
        def _():
            pltpu.sync_copy(accum.at[pl.ds(row, K), pl.ds(0, DH)],
                            nout_hbm.at[cid, pl.ds(row, K)])


_sc_gather_scatter = pl.kernel(
    _sc_body,
    out_type=[
        jax.ShapeDtypeStruct((E, DE), jnp.float32),
        jax.ShapeDtypeStruct((2, N, DH), jnp.float32),
    ],
    mesh=plsc.VectorSubcoreMesh(core_axis_name="c", subcore_axis_name="s"),
    compiler_params=pltpu.CompilerParams(use_tc_tiling_on_sc=False),
    scratch_types=[
        pltpu.VMEM((NCH, K), jnp.int32),
        pltpu.VMEM((NCH, K), jnp.int32),
        pltpu.VMEM((K,), jnp.int32),
        pltpu.VMEM((K,), jnp.int32),
        pltpu.VMEM((K, DT), jnp.float32),
        pltpu.VMEM((K, DT), jnp.float32),
        pltpu.VMEM((K, DT), jnp.float32),
        pltpu.VMEM((K, DT), jnp.float32),
        pltpu.VMEM((K, DT), jnp.float32),
        pltpu.VMEM((K, DT), jnp.float32),
        pltpu.VMEM_SHARED((N_PAD, DT), jnp.float32),
        pltpu.SemaphoreType.DMA,
        pltpu.SemaphoreType.DMA,
        pltpu.SemaphoreType.DMA,
        pltpu.SemaphoreType.DMA,
        pltpu.SemaphoreType.DMA,
        pltpu.SemaphoreType.DMA,
        pltpu.SemaphoreType.DMA,
        pltpu.SemaphoreType.DMA,
        pltpu.SemaphoreType.DMA,
        pltpu.SemaphoreType.DMA,
    ],
)


def kernel(nodes, edges, globals_, W_node, b_node, W_edge, b_edge,
           W_gnode, b_gnode, W_gedge, b_gedge, W_glob, b_glob,
           W_final, b_final, senders, receivers, n_node, n_edge):
    W_e = jnp.concatenate([W_node[2 * DN:], W_edge[2 * DN:]], axis=1)
    b_all = jnp.concatenate([b_node, b_edge]).reshape(1, DN + DE)

    C, esum = _edges_pre(edges, W_e, b_all)
    TS, TR, new_global = _tables(
        nodes, W_node[:DN], W_edge[:DN], W_node[DN:2 * DN], W_edge[DN:2 * DN],
        esum, globals_,
        W_gnode, b_gnode.reshape(1, DG), W_gedge, b_gedge.reshape(1, DG),
        W_glob, b_glob.reshape(1, DG), W_final, b_final.reshape(1, DG))

    snd = senders.astype(jnp.int32).reshape(NS, NCH, K)
    rcv = receivers.astype(jnp.int32).reshape(NS, NCH, K)
    snd_adj = jnp.stack([snd, snd + N])
    rcv_adj = jnp.stack([rcv, rcv + N])
    new_edges, nout = _sc_gather_scatter(TS, TR, C, snd_adj, rcv_adj, rcv)
    new_nodes = jnp.concatenate([nout[0], nout[1]], axis=1)
    return new_nodes, new_edges, new_global

# --- scband reference (transcript-rebuilt; emitter-appended) ---
"""Pipeline reference for scband-message-passing-layer-31653908972328 (READ-ONLY COPY).

The authoritative reference and input builder live on the scoring server;
editing this copy changes nothing except your own understanding.
"""

import jax, jax.numpy as jnp
import numpy as np

N = 10000
E = 320000
DN = 128
DE = 16
DG = 128
DCAT = DN + DN + DE  # 272


def _leaky(x):
    return jax.nn.leaky_relu(x)


def split_and_sum(array, indices):
    cumsum = jnp.cumsum(array, axis=0)
    end_cums = cumsum[jnp.cumsum(indices) - 1]
    # equivalent to jnp.diff(end_cums, prepend=0, axis=0)
    return jnp.concatenate([end_cums[:1], jnp.diff(end_cums, axis=0)], axis=0)


def setup_inputs(seed: int = 0) -> dict:
    key = jax.random.key(seed)
    ks = [jax.random.fold_in(key, i) for i in range(20)]
    nodes = jax.random.normal(ks[0], (N, DN), dtype=jnp.float32)
    edges = jax.random.normal(ks[1], (E, DE), dtype=jnp.float32)
    senders = jax.random.randint(ks[2], (E,), 0, N)
    receivers = jax.random.randint(ks[3], (E,), 0, N)
    globals_ = jax.random.normal(ks[4], (1, DG), dtype=jnp.float32)
    n_node = jnp.array([N], dtype=jnp.int32)
    n_edge = jnp.array([E], dtype=jnp.int32)

    def dense(k, fin, fout):
        W = jax.random.normal(k, (fin, fout), dtype=jnp.float32) / np.sqrt(fin)
        b = jnp.zeros((fout,), dtype=jnp.float32)
        return W, b

    W_node, b_node = dense(ks[5], DCAT, DN)
    W_edge, b_edge = dense(ks[6], DCAT, DE)
    W_gnode, b_gnode = dense(ks[7], DN, DG)
    W_gedge, b_gedge = dense(ks[8], DE, DG)
    W_glob, b_glob = dense(ks[9], DG, DG)
    W_final, b_final = dense(ks[10], 3 * DG, DG)
    return {
        "nodes": nodes, "edges": edges, "globals_": globals_,
        "W_node": W_node, "b_node": b_node,
        "W_edge": W_edge, "b_edge": b_edge,
        "W_gnode": W_gnode, "b_gnode": b_gnode,
        "W_gedge": W_gedge, "b_gedge": b_gedge,
        "W_glob": W_glob, "b_glob": b_glob,
        "W_final": W_final, "b_final": b_final,
        "senders": senders, "receivers": receivers,
        "n_node": n_node, "n_edge": n_edge,
    }


def reference(nodes, edges, globals_, W_node, b_node, W_edge, b_edge,
              W_gnode, b_gnode, W_gedge, b_gedge, W_glob, b_glob,
              W_final, b_final, senders, receivers, n_node, n_edge):
    send_node_feature = nodes[senders]
    recv_node_feature = nodes[receivers]
    concat_args = jnp.hstack([send_node_feature, recv_node_feature, edges])
    # node MLP (single Dense + leaky_relu; dropout deterministic => identity)
    new_tmp_nodes = _leaky(concat_args @ W_node + b_node)
    recv_nodes = jax.ops.segment_sum(new_tmp_nodes, receivers, num_segments=N)
    new_nodes = recv_nodes  # num_nodes is set, no zero-padding branch
    # edge MLP
    new_edges = _leaky(concat_args @ W_edge + b_edge)
    # global updates
    summed_node_features = split_and_sum(nodes, n_node)
    summed_edge_features = split_and_sum(edges, n_edge)
    tmp_node_global = _leaky(summed_node_features @ W_gnode + b_gnode)
    tmp_edge_global = _leaky(summed_edge_features @ W_gedge + b_gedge)
    tmp_global = _leaky(globals_ @ W_glob + b_glob)
    final_args = jnp.hstack([tmp_global, tmp_node_global, tmp_edge_global])
    new_global = _leaky(final_args @ W_final + b_final)
    return new_nodes, new_edges, new_global

if __name__ == "__main__":
    import jax
    _d = setup_inputs()
    print(jax.jit(kernel)(*tuple(_d.values())))

</pallas_src>

<mosaic_0001>
#map = affine_map<(d0, d1) -> (0, 0)>
#map1 = affine_map<(d0, d1) -> (0, 0, 0)>
#map2 = affine_map<(d0, d1) -> (0, 0, 0, 0)>
module attributes {stable_mosaic.version = 14 : i64} {
  func.func @_sc_body(%arg0: i32, %arg1: i32, %arg2: memref<20000x80xf32, #tpu.memory_space<hbm>>, %arg3: memref<20000x80xf32, #tpu.memory_space<hbm>>, %arg4: memref<2x320000x80xf32, #tpu.memory_space<hbm>>, %arg5: memref<2x16x250x80xi32, #tpu.memory_space<hbm>>, %arg6: memref<2x16x250x80xi32, #tpu.memory_space<hbm>>, %arg7: memref<16x250x80xi32, #tpu.memory_space<hbm>>, %arg8: memref<320000x16xf32, #tpu.memory_space<hbm>>, %arg9: memref<2x10000x64xf32, #tpu.memory_space<hbm>>, %arg10: memref<250x80xi32, #tpu.memory_space<vmem>>, %arg11: memref<250x80xi32, #tpu.memory_space<vmem>>, %arg12: memref<80xi32, #tpu.memory_space<vmem>>, %arg13: memref<80xi32, #tpu.memory_space<vmem>>, %arg14: memref<80x80xf32, #tpu.memory_space<vmem>>, %arg15: memref<80x80xf32, #tpu.memory_space<vmem>>, %arg16: memref<80x80xf32, #tpu.memory_space<vmem>>, %arg17: memref<80x80xf32, #tpu.memory_space<vmem>>, %arg18: memref<80x80xf32, #tpu.memory_space<vmem>>, %arg19: memref<80x80xf32, #tpu.memory_space<vmem>>, %arg20: memref<10240x80xf32, #tpu.memory_space<vmem_shared>>, %arg21: memref<!tpu.dma_semaphore, #tpu.memory_space<semaphore_mem>>, %arg22: memref<!tpu.dma_semaphore, #tpu.memory_space<semaphore_mem>>, %arg23: memref<!tpu.dma_semaphore, #tpu.memory_space<semaphore_mem>>, %arg24: memref<!tpu.dma_semaphore, #tpu.memory_space<semaphore_mem>>, %arg25: memref<!tpu.dma_semaphore, #tpu.memory_space<semaphore_mem>>, %arg26: memref<!tpu.dma_semaphore, #tpu.memory_space<semaphore_mem>>, %arg27: memref<!tpu.dma_semaphore, #tpu.memory_space<semaphore_mem>>, %arg28: memref<!tpu.dma_semaphore, #tpu.memory_space<semaphore_mem>>, %arg29: memref<!tpu.dma_semaphore, #tpu.memory_space<semaphore_mem>>, %arg30: memref<!tpu.dma_semaphore, #tpu.memory_space<semaphore_mem>>) attributes {dimension_semantics = [#tpu.dimension_semantics<core_parallel>, #tpu.dimension_semantics<subcore_parallel>], iteration_bounds = array<i64: 2, 16>, scalar_prefetch = 0 : i64, scratch_operands = 21 : i64, tpu.core_type = #tpu.core_type<sc_vector_subcore>, window_params = [{transform_indices = #map}, {transform_indices = #map}, {transform_indices = #map1}, {transform_indices = #map2}, {transform_indices = #map2}, {transform_indices = #map1}, {transform_indices = #map}, {transform_indices = #map1}]} {
    %mul3A = arith.constant 640 : i32
    %mul3A_0 = arith.muli %arg1, %mul3A : i32
    %mul3A_1 = arith.constant 20000 : i32
    %mul3A_2 = arith.muli %arg1, %mul3A_1 : i32
    %scan3A = arith.constant 0 : i32
    %scan3A_3 = arith.constant 0 : i32
    %scan3A_4 = arith.constant 80 : i32
    %scan3A_5 = arith.addi %scan3A_3, %scan3A_4 : i32
    %scan3A_6 = arith.constant 1 : i32
    %scan3A_7 = scf.for %scan3A_172 = %scan3A_3 to %scan3A_5 step %scan3A_6 iter_args(%scan3A_173 = %scan3A) -> (i32)  : i32 {
      %broadcast_in_dim3A = arith.constant 0.000000e+00 : f32
      %broadcast_in_dim3A_174 = vector.broadcast %broadcast_in_dim3A : f32 to vector<16xf32>
      %swap3A = arith.index_cast %scan3A_172 : i32 to index
      %swap3A_175 = arith.constant 0 : index
      %swap3A_176 = tpu.vector_load %arg18[%swap3A, %swap3A_175] {strides = array<i32>} : memref<80x80xf32, #tpu.memory_space<vmem>>, vector<1x16xf32>,
      %swap3A_177 = vector.shape_cast %swap3A_176 : vector<1x16xf32> to vector<16xf32>
      %swap3A_178 = vector.shape_cast %broadcast_in_dim3A_174 : vector<16xf32> to vector<1x16xf32>
      tpu.vector_store %arg18[%swap3A, %swap3A_175], %swap3A_178 {strides = array<i32>} : memref<80x80xf32, #tpu.memory_space<vmem>>, vector<1x16xf32>,
      %broadcast_in_dim3A_179 = arith.constant 0.000000e+00 : f32
      %broadcast_in_dim3A_180 = vector.broadcast %broadcast_in_dim3A_179 : f32 to vector<16xf32>
      %swap3A_181 = arith.index_cast %scan3A_172 : i32 to index
      %swap3A_182 = arith.constant 0 : index
      %swap3A_183 = tpu.vector_load %arg19[%swap3A_181, %swap3A_182] {strides = array<i32>} : memref<80x80xf32, #tpu.memory_space<vmem>>, vector<1x16xf32>,
      %swap3A_184 = vector.shape_cast %swap3A_183 : vector<1x16xf32> to vector<16xf32>
      %swap3A_185 = vector.shape_cast %broadcast_in_dim3A_180 : vector<16xf32> to vector<1x16xf32>
      tpu.vector_store %arg19[%swap3A_181, %swap3A_182], %swap3A_185 {strides = array<i32>} : memref<80x80xf32, #tpu.memory_space<vmem>>, vector<1x16xf32>,
      %broadcast_in_dim3A_186 = arith.constant 0.000000e+00 : f32
      %broadcast_in_dim3A_187 = vector.broadcast %broadcast_in_dim3A_186 : f32 to vector<16xf32>
      %swap3A_188 = arith.index_cast %scan3A_172 : i32 to index
      %swap3A_189 = arith.constant 16 : index
      %swap3A_190 = tpu.vector_load %arg18[%swap3A_188, %swap3A_189] {strides = array<i32>} : memref<80x80xf32, #tpu.memory_space<vmem>>, vector<1x16xf32>,
      %swap3A_191 = vector.shape_cast %swap3A_190 : vector<1x16xf32> to vector<16xf32>
      %swap3A_192 = vector.shape_cast %broadcast_in_dim3A_187 : vector<16xf32> to vector<1x16xf32>
      tpu.vector_store %arg18[%swap3A_188, %swap3A_189], %swap3A_192 {strides = array<i32>} : memref<80x80xf32, #tpu.memory_space<vmem>>, vector<1x16xf32>,
      %broadcast_in_dim3A_193 = arith.constant 0.000000e+00 : f32
      %broadcast_in_dim3A_194 = vector.broadcast %broadcast_in_dim3A_193 : f32 to vector<16xf32>
      %swap3A_195 = arith.index_cast %scan3A_172 : i32 to index
      %swap3A_196 = arith.constant 16 : index
      %swap3A_197 = tpu.vector_load %arg19[%swap3A_195, %swap3A_196] {strides = array<i32>} : memref<80x80xf32, #tpu.memory_space<vmem>>, vector<1x16xf32>,
      %swap3A_198 = vector.shape_cast %swap3A_197 : vector<1x16xf32> to vector<16xf32>
      %swap3A_199 = vector.shape_cast %broadcast_in_dim3A_194 : vector<16xf32> to vector<1x16xf32>
      tpu.vector_store %arg19[%swap3A_195, %swap3A_196], %swap3A_199 {strides = array<i32>} : memref<80x80xf32, #tpu.memory_space<vmem>>, vector<1x16xf32>,
      %broadcast_in_dim3A_200 = arith.constant 0.000000e+00 : f32
      %broadcast_in_dim3A_201 = vector.broadcast %broadcast_in_dim3A_200 : f32 to vector<16xf32>
      %swap3A_202 = arith.index_cast %scan3A_172 : i32 to index
      %swap3A_203 = arith.constant 32 : index
      %swap3A_204 = tpu.vector_load %arg18[%swap3A_202, %swap3A_203] {strides = array<i32>} : memref<80x80xf32, #tpu.memory_space<vmem>>, vector<1x16xf32>,
      %swap3A_205 = vector.shape_cast %swap3A_204 : vector<1x16xf32> to vector<16xf32>
      %swap3A_206 = vector.shape_cast %broadcast_in_dim3A_201 : vector<16xf32> to vector<1x16xf32>
      tpu.vector_store %arg18[%swap3A_202, %swap3A_203], %swap3A_206 {strides = array<i32>} : memref<80x80xf32, #tpu.memory_space<vmem>>, vector<1x16xf32>,
      %broadcast_in_dim3A_207 = arith.constant 0.000000e+00 : f32
      %broadcast_in_dim3A_208 = vector.broadcast %broadcast_in_dim3A_207 : f32 to vector<16xf32>
      %swap3A_209 = arith.index_cast %scan3A_172 : i32 to index
      %swap3A_210 = arith.constant 32 : index
      %swap3A_211 = tpu.vector_load %arg19[%swap3A_209, %swap3A_210] {strides = array<i32>} : memref<80x80xf32, #tpu.memory_space<vmem>>, vector<1x16xf32>,
      %swap3A_212 = vector.shape_cast %swap3A_211 : vector<1x16xf32> to vector<16xf32>
      %swap3A_213 = vector.shape_cast %broadcast_in_dim3A_208 : vector<16xf32> to vector<1x16xf32>
      tpu.vector_store %arg19[%swap3A_209, %swap3A_210], %swap3A_213 {strides = array<i32>} : memref<80x80xf32, #tpu.memory_space<vmem>>, vector<1x16xf32>,
      %broadcast_in_dim3A_214 = arith.constant 0.000000e+00 : f32
      %broadcast_in_dim3A_215 = vector.broadcast %broadcast_in_dim3A_214 : f32 to vector<16xf32>
      %swap3A_216 = arith.index_cast %scan3A_172 : i32 to index
      %swap3A_217 = arith.constant 48 : index
      %swap3A_218 = tpu.vector_load %arg18[%swap3A_216, %swap3A_217] {strides = array<i32>} : memref<80x80xf32, #tpu.memory_space<vmem>>, vector<1x16xf32>,
      %swap3A_219 = vector.shape_cast %swap3A_218 : vector<1x16xf32> to vector<16xf32>
      %swap3A_220 = vector.shape_cast %broadcast_in_dim3A_215 : vector<16xf32> to vector<1x16xf32>
      tpu.vector_store %arg18[%swap3A_216, %swap3A_217], %swap3A_220 {strides = array<i32>} : memref<80x80xf32, #tpu.memory_space<vmem>>, vector<1x16xf32>,
      %broadcast_in_dim3A_221 = arith.constant 0.000000e+00 : f32
      %broadcast_in_dim3A_222 = vector.broadcast %broadcast_in_dim3A_221 : f32 to vector<16xf32>
      %swap3A_223 = arith.index_cast %scan3A_172 : i32 to index
      %swap3A_224 = arith.constant 48 : index
      %swap3A_225 = tpu.vector_load %arg19[%swap3A_223, %swap3A_224] {strides = array<i32>} : memref<80x80xf32, #tpu.memory_space<vmem>>, vector<1x16xf32>,
      %swap3A_226 = vector.shape_cast %swap3A_225 : vector<1x16xf32> to vector<16xf32>
      %swap3A_227 = vector.shape_cast %broadcast_in_dim3A_222 : vector<16xf32> to vector<1x16xf32>
      tpu.vector_store %arg19[%swap3A_223, %swap3A_224], %swap3A_227 {strides = array<i32>} : memref<80x80xf32, #tpu.memory_space<vmem>>, vector<1x16xf32>,
      %broadcast_in_dim3A_228 = arith.constant 0.000000e+00 : f32
      %broadcast_in_dim3A_229 = vector.broadcast %broadcast_in_dim3A_228 : f32 to vector<16xf32>
      %swap3A_230 = arith.index_cast %scan3A_172 : i32 to index
      %swap3A_231 = arith.constant 64 : index
      %swap3A_232 = tpu.vector_load %arg18[%swap3A_230, %swap3A_231] {strides = array<i32>} : memref<80x80xf32, #tpu.memory_space<vmem>>, vector<1x16xf32>,
      %swap3A_233 = vector.shape_cast %swap3A_232 : vector<1x16xf32> to vector<16xf32>
      %swap3A_234 = vector.shape_cast %broadcast_in_dim3A_229 : vector<16xf32> to vector<1x16xf32>
      tpu.vector_store %arg18[%swap3A_230, %swap3A_231], %swap3A_234 {strides = array<i32>} : memref<80x80xf32, #tpu.memory_space<vmem>>, vector<1x16xf32>,
      %broadcast_in_dim3A_235 = arith.constant 0.000000e+00 : f32
      %broadcast_in_dim3A_236 = vector.broadcast %broadcast_in_dim3A_235 : f32 to vector<16xf32>
      %swap3A_237 = arith.index_cast %scan3A_172 : i32 to index
      %swap3A_238 = arith.constant 64 : index
      %swap3A_239 = tpu.vector_load %arg19[%swap3A_237, %swap3A_238] {strides = array<i32>} : memref<80x80xf32, #tpu.memory_space<vmem>>, vector<1x16xf32>,
      %swap3A_240 = vector.shape_cast %swap3A_239 : vector<1x16xf32> to vector<16xf32>
      %swap3A_241 = vector.shape_cast %broadcast_in_dim3A_236 : vector<16xf32> to vector<1x16xf32>
      tpu.vector_store %arg19[%swap3A_237, %swap3A_238], %swap3A_241 {strides = array<i32>} : memref<80x80xf32, #tpu.memory_space<vmem>>, vector<1x16xf32>,
      %scan3A_242 = arith.constant 0 : i32
      scf.yield %scan3A_242 : i32
    }
    %scan3A_8 = arith.constant 80 : i32
    %add3A = arith.constant 0 : i32
    %add3A_9 = arith.addi %mul3A_0, %add3A : i32
    "tpu.region"() ({
      %run_scoped3A_172 = tpu.sem_alloc : memref<!tpu.dma_semaphore, #tpu.memory_space<semaphore_mem>>
      %dma_start3A_173 = arith.constant 0 : i32
      %dma_start3A_174 = tpu.memref_slice %arg20[%add3A_9, %dma_start3A_173] : memref<10240x80xf32, #tpu.memory_space<vmem_shared>> -> memref<80x80xf32, #tpu.memory_space<vmem_shared>>
      %dma_start3A_175 = arith.constant 0 : i32
      %dma_start3A_176 = tpu.memref_slice %arg20[%add3A_9, %dma_start3A_175] : memref<10240x80xf32, #tpu.memory_space<vmem_shared>> -> memref<80x80xf32, #tpu.memory_space<vmem_shared>>
      tpu.enqueue_dma source(%arg18 : memref<80x80xf32, #tpu.memory_space<vmem>>) target(%dma_start3A_176 : memref<80x80xf32, #tpu.memory_space<vmem_shared>>) target_semaphore(%run_scoped3A_172 : memref<!tpu.dma_semaphore, #tpu.memory_space<semaphore_mem>>)
      %dma_wait3A_177 = arith.constant 0 : i32
      %dma_wait3A_178 = tpu.memref_slice %arg20[%add3A_9, %dma_wait3A_177] : memref<10240x80xf32, #tpu.memory_space<vmem_shared>> -> memref<80x80xf32, #tpu.memory_space<vmem_shared>>
      %dma_wait3A_179 = arith.constant 0 : i32
      %dma_wait3A_180 = tpu.memref_slice %arg20[%add3A_9, %dma_wait3A_179] : memref<10240x80xf32, #tpu.memory_space<vmem_shared>> -> memref<80x80xf32, #tpu.memory_space<vmem_shared>>
      tpu.wait_dma2 semaphore(%run_scoped3A_172 : memref<!tpu.dma_semaphore, #tpu.memory_space<semaphore_mem>>) src(%arg18 : memref<80x80xf32, #tpu.memory_space<vmem>>) dst(%dma_wait3A_180 : memref<80x80xf32, #tpu.memory_space<vmem_shared>>)
      tpu.yield
    }) : () -> ()
    %add3A_10 = arith.constant 80 : i32
    %add3A_11 = arith.addi %mul3A_0, %add3A_10 : i32
    "tpu.region"() ({
      %run_scoped3A_172 = tpu.sem_alloc : memref<!tpu.dma_semaphore, #tpu.memory_space<semaphore_mem>>
      %dma_start3A_173 = arith.constant 0 : i32
      %dma_start3A_174 = tpu.memref_slice %arg20[%add3A_11, %dma_start3A_173] : memref<10240x80xf32, #tpu.memory_space<vmem_shared>> -> memref<80x80xf32, #tpu.memory_space<vmem_shared>>
      %dma_start3A_175 = arith.constant 0 : i32
      %dma_start3A_176 = tpu.memref_slice %arg20[%add3A_11, %dma_start3A_175] : memref<10240x80xf32, #tpu.memory_space<vmem_shared>> -> memref<80x80xf32, #tpu.memory_space<vmem_shared>>
      tpu.enqueue_dma source(%arg18 : memref<80x80xf32, #tpu.memory_space<vmem>>) target(%dma_start3A_176 : memref<80x80xf32, #tpu.memory_space<vmem_shared>>) target_semaphore(%run_scoped3A_172 : memref<!tpu.dma_semaphore, #tpu.memory_space<semaphore_mem>>)
      %dma_wait3A_177 = arith.constant 0 : i32
      %dma_wait3A_178 = tpu.memref_slice %arg20[%add3A_11, %dma_wait3A_177] : memref<10240x80xf32, #tpu.memory_space<vmem_shared>> -> memref<80x80xf32, #tpu.memory_space<vmem_shared>>
      %dma_wait3A_179 = arith.constant 0 : i32
      %dma_wait3A_180 = tpu.memref_slice %arg20[%add3A_11, %dma_wait3A_179] : memref<10240x80xf32, #tpu.memory_space<vmem_shared>> -> memref<80x80xf32, #tpu.memory_space<vmem_shared>>
      tpu.wait_dma2 semaphore(%run_scoped3A_172 : memref<!tpu.dma_semaphore, #tpu.memory_space<semaphore_mem>>) src(%arg18 : memref<80x80xf32, #tpu.memory_space<vmem>>) dst(%dma_wait3A_180 : memref<80x80xf32, #tpu.memory_space<vmem_shared>>)
      tpu.yield
    }) : () -> ()
    %add3A_12 = arith.constant 160 : i32
    %add3A_13 = arith.addi %mul3A_0, %add3A_12 : i32
    "tpu.region"() ({
      %run_scoped3A_172 = tpu.sem_alloc : memref<!tpu.dma_semaphore, #tpu.memory_space<semaphore_mem>>
      %dma_start3A_173 = arith.constant 0 : i32
      %dma_start3A_174 = tpu.memref_slice %arg20[%add3A_13, %dma_start3A_173] : memref<10240x80xf32, #tpu.memory_space<vmem_shared>> -> memref<80x80xf32, #tpu.memory_space<vmem_shared>>
      %dma_start3A_175 = arith.constant 0 : i32
      %dma_start3A_176 = tpu.memref_slice %arg20[%add3A_13, %dma_start3A_175] : memref<10240x80xf32, #tpu.memory_space<vmem_shared>> -> memref<80x80xf32, #tpu.memory_space<vmem_shared>>
      tpu.enqueue_dma source(%arg18 : memref<80x80xf32, #tpu.memory_space<vmem>>) target(%dma_start3A_176 : memref<80x80xf32, #tpu.memory_space<vmem_shared>>) target_semaphore(%run_scoped3A_172 : memref<!tpu.dma_semaphore, #tpu.memory_space<semaphore_mem>>)
      %dma_wait3A_177 = arith.constant 0 : i32
      %dma_wait3A_178 = tpu.memref_slice %arg20[%add3A_13, %dma_wait3A_177] : memref<10240x80xf32, #tpu.memory_space<vmem_shared>> -> memref<80x80xf32, #tpu.memory_space<vmem_shared>>
      %dma_wait3A_179 = arith.constant 0 : i32
      %dma_wait3A_180 = tpu.memref_slice %arg20[%add3A_13, %dma_wait3A_179] : memref<10240x80xf32, #tpu.memory_space<vmem_shared>> -> memref<80x80xf32, #tpu.memory_space<vmem_shared>>
      tpu.wait_dma2 semaphore(%run_scoped3A_172 : memref<!tpu.dma_semaphore, #tpu.memory_space<semaphore_mem>>) src(%arg18 : memref<80x80xf32, #tpu.memory_space<vmem>>) dst(%dma_wait3A_180 : memref<80x80xf32, #tpu.memory_space<vmem_shared>>)
      tpu.yield
    }) : () -> ()
    %add3A_14 = arith.constant 240 : i32
    %add3A_15 = arith.addi %mul3A_0, %add3A_14 : i32
    "tpu.region"() ({
      %run_scoped3A_172 = tpu.sem_alloc : memref<!tpu.dma_semaphore, #tpu.memory_space<semaphore_mem>>
      %dma_start3A_173 = arith.constant 0 : i32
      %dma_start3A_174 = tpu.memref_slice %arg20[%add3A_15, %dma_start3A_173] : memref<10240x80xf32, #tpu.memory_space<vmem_shared>> -> memref<80x80xf32, #tpu.memory_space<vmem_shared>>
      %dma_start3A_175 = arith.constant 0 : i32
      %dma_start3A_176 = tpu.memref_slice %arg20[%add3A_15, %dma_start3A_175] : memref<10240x80xf32, #tpu.memory_space<vmem_shared>> -> memref<80x80xf32, #tpu.memory_space<vmem_shared>>
      tpu.enqueue_dma source(%arg18 : memref<80x80xf32, #tpu.memory_space<vmem>>) target(%dma_start3A_176 : memref<80x80xf32, #tpu.memory_space<vmem_shared>>) target_semaphore(%run_scoped3A_172 : memref<!tpu.dma_semaphore, #tpu.memory_space<semaphore_mem>>)
      %dma_wait3A_177 = arith.constant 0 : i32
      %dma_wait3A_178 = tpu.memref_slice %arg20[%add3A_15, %dma_wait3A_177] : memref<10240x80xf32, #tpu.memory_space<vmem_shared>> -> memref<80x80xf32, #tpu.memory_space<vmem_shared>>
      %dma_wait3A_179 = arith.constant 0 : i32
      %dma_wait3A_180 = tpu.memref_slice %arg20[%add3A_15, %dma_wait3A_179] : memref<10240x80xf32, #tpu.memory_space<vmem_shared>> -> memref<80x80xf32, #tpu.memory_space<vmem_shared>>
      tpu.wait_dma2 semaphore(%run_scoped3A_172 : memref<!tpu.dma_semaphore, #tpu.memory_space<semaphore_mem>>) src(%arg18 : memref<80x80xf32, #tpu.memory_space<vmem>>) dst(%dma_wait3A_180 : memref<80x80xf32, #tpu.memory_space<vmem_shared>>)
      tpu.yield
    }) : () -> ()
    %add3A_16 = arith.constant 320 : i32
    %add3A_17 = arith.addi %mul3A_0, %add3A_16 : i32
    "tpu.region"() ({
      %run_scoped3A_172 = tpu.sem_alloc : memref<!tpu.dma_semaphore, #tpu.memory_space<semaphore_mem>>
      %dma_start3A_173 = arith.constant 0 : i32
      %dma_start3A_174 = tpu.memref_slice %arg20[%add3A_17, %dma_start3A_173] : memref<10240x80xf32, #tpu.memory_space<vmem_shared>> -> memref<80x80xf32, #tpu.memory_space<vmem_shared>>
      %dma_start3A_175 = arith.constant 0 : i32
      %dma_start3A_176 = tpu.memref_slice %arg20[%add3A_17, %dma_start3A_175] : memref<10240x80xf32, #tpu.memory_space<vmem_shared>> -> memref<80x80xf32, #tpu.memory_space<vmem_shared>>
      tpu.enqueue_dma source(%arg18 : memref<80x80xf32, #tpu.memory_space<vmem>>) target(%dma_start3A_176 : memref<80x80xf32, #tpu.memory_space<vmem_shared>>) target_semaphore(%run_scoped3A_172 : memref<!tpu.dma_semaphore, #tpu.memory_space<semaphore_mem>>)
      %dma_wait3A_177 = arith.constant 0 : i32
      %dma_wait3A_178 = tpu.memref_slice %arg20[%add3A_17, %dma_wait3A_177] : memref<10240x80xf32, #tpu.memory_space<vmem_shared>> -> memref<80x80xf32, #tpu.memory_space<vmem_shared>>
      %dma_wait3A_179 = arith.constant 0 : i32
      %dma_wait3A_180 = tpu.memref_slice %arg20[%add3A_17, %dma_wait3A_179] : memref<10240x80xf32, #tpu.memory_space<vmem_shared>> -> memref<80x80xf32, #tpu.memory_space<vmem_shared>>
      tpu.wait_dma2 semaphore(%run_scoped3A_172 : memref<!tpu.dma_semaphore, #tpu.memory_space<semaphore_mem>>) src(%arg18 : memref<80x80xf32, #tpu.memory_space<vmem>>) dst(%dma_wait3A_180 : memref<80x80xf32, #tpu.memory_space<vmem_shared>>)
      tpu.yield
    }) : () -> ()
    %add3A_18 = arith.constant 400 : i32
    %add3A_19 = arith.addi %mul3A_0, %add3A_18 : i32
    "tpu.region"() ({
      %run_scoped3A_172 = tpu.sem_alloc : memref<!tpu.dma_semaphore, #tpu.memory_space<semaphore_mem>>
      %dma_start3A_173 = arith.constant 0 : i32
      %dma_start3A_174 = tpu.memref_slice %arg20[%add3A_19, %dma_start3A_173] : memref<10240x80xf32, #tpu.memory_space<vmem_shared>> -> memref<80x80xf32, #tpu.memory_space<vmem_shared>>
      %dma_start3A_175 = arith.constant 0 : i32
      %dma_start3A_176 = tpu.memref_slice %arg20[%add3A_19, %dma_start3A_175] : memref<10240x80xf32, #tpu.memory_space<vmem_shared>> -> memref<80x80xf32, #tpu.memory_space<vmem_shared>>
      tpu.enqueue_dma source(%arg18 : memref<80x80xf32, #tpu.memory_space<vmem>>) target(%dma_start3A_176 : memref<80x80xf32, #tpu.memory_space<vmem_shared>>) target_semaphore(%run_scoped3A_172 : memref<!tpu.dma_semaphore, #tpu.memory_space<semaphore_mem>>)
      %dma_wait3A_177 = arith.constant 0 : i32
      %dma_wait3A_178 = tpu.memref_slice %arg20[%add3A_19, %dma_wait3A_177] : memref<10240x80xf32, #tpu.memory_space<vmem_shared>> -> memref<80x80xf32, #tpu.memory_space<vmem_shared>>
      %dma_wait3A_179 = arith.constant 0 : i32
      %dma_wait3A_180 = tpu.memref_slice %arg20[%add3A_19, %dma_wait3A_179] : memref<10240x80xf32, #tpu.memory_space<vmem_shared>> -> memref<80x80xf32, #tpu.memory_space<vmem_shared>>
      tpu.wait_dma2 semaphore(%run_scoped3A_172 : memref<!tpu.dma_semaphore, #tpu.memory_space<semaphore_mem>>) src(%arg18 : memref<80x80xf32, #tpu.memory_space<vmem>>) dst(%dma_wait3A_180 : memref<80x80xf32, #tpu.memory_space<vmem_shared>>)
      tpu.yield
    }) : () -> ()
    %add3A_20 = arith.constant 480 : i32
    %add3A_21 = arith.addi %mul3A_0, %add3A_20 : i32
    "tpu.region"() ({
      %run_scoped3A_172 = tpu.sem_alloc : memref<!tpu.dma_semaphore, #tpu.memory_space<semaphore_mem>>
      %dma_start3A_173 = arith.constant 0 : i32
      %dma_start3A_174 = tpu.memref_slice %arg20[%add3A_21, %dma_start3A_173] : memref<10240x80xf32, #tpu.memory_space<vmem_shared>> -> memref<80x80xf32, #tpu.memory_space<vmem_shared>>
      %dma_start3A_175 = arith.constant 0 : i32
      %dma_start3A_176 = tpu.memref_slice %arg20[%add3A_21, %dma_start3A_175] : memref<10240x80xf32, #tpu.memory_space<vmem_shared>> -> memref<80x80xf32, #tpu.memory_space<vmem_shared>>
      tpu.enqueue_dma source(%arg18 : memref<80x80xf32, #tpu.memory_space<vmem>>) target(%dma_start3A_176 : memref<80x80xf32, #tpu.memory_space<vmem_shared>>) target_semaphore(%run_scoped3A_172 : memref<!tpu.dma_semaphore, #tpu.memory_space<semaphore_mem>>)
      %dma_wait3A_177 = arith.constant 0 : i32
      %dma_wait3A_178 = tpu.memref_slice %arg20[%add3A_21, %dma_wait3A_177] : memref<10240x80xf32, #tpu.memory_space<vmem_shared>> -> memref<80x80xf32, #tpu.memory_space<vmem_shared>>
      %dma_wait3A_179 = arith.constant 0 : i32
      %dma_wait3A_180 = tpu.memref_slice %arg20[%add3A_21, %dma_wait3A_179] : memref<10240x80xf32, #tpu.memory_space<vmem_shared>> -> memref<80x80xf32, #tpu.memory_space<vmem_shared>>
      tpu.wait_dma2 semaphore(%run_scoped3A_172 : memref<!tpu.dma_semaphore, #tpu.memory_space<semaphore_mem>>) src(%arg18 : memref<80x80xf32, #tpu.memory_space<vmem>>) dst(%dma_wait3A_180 : memref<80x80xf32, #tpu.memory_space<vmem_shared>>)
      tpu.yield
    }) : () -> ()
    %add3A_22 = arith.constant 560 : i32
    %add3A_23 = arith.addi %mul3A_0, %add3A_22 : i32
    "tpu.region"() ({
      %run_scoped3A_172 = tpu.sem_alloc : memref<!tpu.dma_semaphore, #tpu.memory_space<semaphore_mem>>
      %dma_start3A_173 = arith.constant 0 : i32
      %dma_start3A_174 = tpu.memref_slice %arg20[%add3A_23, %dma_start3A_173] : memref<10240x80xf32, #tpu.memory_space<vmem_shared>> -> memref<80x80xf32, #tpu.memory_space<vmem_shared>>
      %dma_start3A_175 = arith.constant 0 : i32
      %dma_start3A_176 = tpu.memref_slice %arg20[%add3A_23, %dma_start3A_175] : memref<10240x80xf32, #tpu.memory_space<vmem_shared>> -> memref<80x80xf32, #tpu.memory_space<vmem_shared>>
      tpu.enqueue_dma source(%arg18 : memref<80x80xf32, #tpu.memory_space<vmem>>) target(%dma_start3A_176 : memref<80x80xf32, #tpu.memory_space<vmem_shared>>) target_semaphore(%run_scoped3A_172 : memref<!tpu.dma_semaphore, #tpu.memory_space<semaphore_mem>>)
      %dma_wait3A_177 = arith.constant 0 : i32
      %dma_wait3A_178 = tpu.memref_slice %arg20[%add3A_23, %dma_wait3A_177] : memref<10240x80xf32, #tpu.memory_space<vmem_shared>> -> memref<80x80xf32, #tpu.memory_space<vmem_shared>>
      %dma_wait3A_179 = arith.constant 0 : i32
      %dma_wait3A_180 = tpu.memref_slice %arg20[%add3A_23, %dma_wait3A_179] : memref<10240x80xf32, #tpu.memory_space<vmem_shared>> -> memref<80x80xf32, #tpu.memory_space<vmem_shared>>
      tpu.wait_dma2 semaphore(%run_scoped3A_172 : memref<!tpu.dma_semaphore, #tpu.memory_space<semaphore_mem>>) src(%arg18 : memref<80x80xf32, #tpu.memory_space<vmem>>) dst(%dma_wait3A_180 : memref<80x80xf32, #tpu.memory_space<vmem_shared>>)
      tpu.yield
    }) : () -> ()
    "tpu.region"() ({
      %run_scoped3A_172 = tpu.sem_alloc : memref<!tpu.dma_semaphore, #tpu.memory_space<semaphore_mem>>
      %dma_start3A_173 = arith.constant 0 : i32
      %dma_start3A_174 = arith.constant 0 : i32
      %dma_start3A_175 = tpu.memref_slice %arg5[%arg0, %arg1, %dma_start3A_173, %dma_start3A_174] : memref<2x16x250x80xi32, #tpu.memory_space<hbm>> -> memref<1x1x250x80xi32, #tpu.memory_space<hbm>>
      %dma_start3A_176 = tpu.memref_squeeze %dma_start3A_175 : memref<1x1x250x80xi32, #tpu.memory_space<hbm>> -> memref<250x80xi32, #tpu.memory_space<hbm>>
      %dma_start3A_177 = arith.constant 0 : i32
      %dma_start3A_178 = arith.constant 0 : i32
      %dma_start3A_179 = tpu.memref_slice %arg5[%arg0, %arg1, %dma_start3A_177, %dma_start3A_178] : memref<2x16x250x80xi32, #tpu.memory_space<hbm>> -> memref<1x1x250x80xi32, #tpu.memory_space<hbm>>
      %dma_start3A_180 = tpu.memref_squeeze %dma_start3A_179 : memref<1x1x250x80xi32, #tpu.memory_space<hbm>> -> memref<250x80xi32, #tpu.memory_space<hbm>>
      tpu.enqueue_dma source(%dma_start3A_180 : memref<250x80xi32, #tpu.memory_space<hbm>>) target(%arg10 : memref<250x80xi32, #tpu.memory_space<vmem>>) target_semaphore(%run_scoped3A_172 : memref<!tpu.dma_semaphore, #tpu.memory_space<semaphore_mem>>)
      %dma_wait3A_181 = arith.constant 0 : i32
      %dma_wait3A_182 = arith.constant 0 : i32
      %dma_wait3A_183 = tpu.memref_slice %arg5[%arg0, %arg1, %dma_wait3A_181, %dma_wait3A_182] : memref<2x16x250x80xi32, #tpu.memory_space<hbm>> -> memref<1x1x250x80xi32, #tpu.memory_space<hbm>>
      %dma_wait3A_184 = tpu.memref_squeeze %dma_wait3A_183 : memref<1x1x250x80xi32, #tpu.memory_space<hbm>> -> memref<250x80xi32, #tpu.memory_space<hbm>>
      %dma_wait3A_185 = arith.constant 0 : i32
      %dma_wait3A_186 = arith.constant 0 : i32
      %dma_wait3A_187 = tpu.memref_slice %arg5[%arg0, %arg1, %dma_wait3A_185, %dma_wait3A_186] : memref<2x16x250x80xi32, #tpu.memory_space<hbm>> -> memref<1x1x250x80xi32, #tpu.memory_space<hbm>>
      %dma_wait3A_188 = tpu.memref_squeeze %dma_wait3A_187 : memref<1x1x250x80xi32, #tpu.memory_space<hbm>> -> memref<250x80xi32, #tpu.memory_space<hbm>>
      tpu.wait_dma2 semaphore(%run_scoped3A_172 : memref<!tpu.dma_semaphore, #tpu.memory_space<semaphore_mem>>) src(%dma_wait3A_188 : memref<250x80xi32, #tpu.memory_space<hbm>>) dst(%arg10 : memref<250x80xi32, #tpu.memory_space<vmem>>)
      tpu.yield
    }) : () -> ()
    "tpu.region"() ({
      %run_scoped3A_172 = tpu.sem_alloc : memref<!tpu.dma_semaphore, #tpu.memory_space<semaphore_mem>>
      %dma_start3A_173 = arith.constant 0 : i32
      %dma_start3A_174 = arith.constant 0 : i32
      %dma_start3A_175 = tpu.memref_slice %arg6[%arg0, %arg1, %dma_start3A_173, %dma_start3A_174] : memref<2x16x250x80xi32, #tpu.memory_space<hbm>> -> memref<1x1x250x80xi32, #tpu.memory_space<hbm>>
      %dma_start3A_176 = tpu.memref_squeeze %dma_start3A_175 : memref<1x1x250x80xi32, #tpu.memory_space<hbm>> -> memref<250x80xi32, #tpu.memory_space<hbm>>
      %dma_start3A_177 = arith.constant 0 : i32
      %dma_start3A_178 = arith.constant 0 : i32
      %dma_start3A_179 = tpu.memref_slice %arg6[%arg0, %arg1, %dma_start3A_177, %dma_start3A_178] : memref<2x16x250x80xi32, #tpu.memory_space<hbm>> -> memref<1x1x250x80xi32, #tpu.memory_space<hbm>>
      %dma_start3A_180 = tpu.memref_squeeze %dma_start3A_179 : memref<1x1x250x80xi32, #tpu.memory_space<hbm>> -> memref<250x80xi32, #tpu.memory_space<hbm>>
      tpu.enqueue_dma source(%dma_start3A_180 : memref<250x80xi32, #tpu.memory_space<hbm>>) target(%arg11 : memref<250x80xi32, #tpu.memory_space<vmem>>) target_semaphore(%run_scoped3A_172 : memref<!tpu.dma_semaphore, #tpu.memory_space<semaphore_mem>>)
      %dma_wait3A_181 = arith.constant 0 : i32
      %dma_wait3A_182 = arith.constant 0 : i32
      %dma_wait3A_183 = tpu.memref_slice %arg6[%arg0, %arg1, %dma_wait3A_181, %dma_wait3A_182] : memref<2x16x250x80xi32, #tpu.memory_space<hbm>> -> memref<1x1x250x80xi32, #tpu.memory_space<hbm>>
      %dma_wait3A_184 = tpu.memref_squeeze %dma_wait3A_183 : memref<1x1x250x80xi32, #tpu.memory_space<hbm>> -> memref<250x80xi32, #tpu.memory_space<hbm>>
      %dma_wait3A_185 = arith.constant 0 : i32
      %dma_wait3A_186 = arith.constant 0 : i32
      %dma_wait3A_187 = tpu.memref_slice %arg6[%arg0, %arg1, %dma_wait3A_185, %dma_wait3A_186] : memref<2x16x250x80xi32, #tpu.memory_space<hbm>> -> memref<1x1x250x80xi32, #tpu.memory_space<hbm>>
      %dma_wait3A_188 = tpu.memref_squeeze %dma_wait3A_187 : memref<1x1x250x80xi32, #tpu.memory_space<hbm>> -> memref<250x80xi32, #tpu.memory_space<hbm>>
      tpu.wait_dma2 semaphore(%run_scoped3A_172 : memref<!tpu.dma_semaphore, #tpu.memory_space<semaphore_mem>>) src(%dma_wait3A_188 : memref<250x80xi32, #tpu.memory_space<hbm>>) dst(%arg11 : memref<250x80xi32, #tpu.memory_space<vmem>>)
      tpu.yield
    }) : () -> ()
    %run_scoped3A = arith.constant 0 : i32
    "tpu.region"() ({
      %run_scoped3A_172 = tpu.sem_alloc : memref<!tpu.dma_semaphore, #tpu.memory_space<semaphore_mem>>
      %dma_start3A_173 = arith.constant 0 : i32
      %dma_start3A_174 = tpu.memref_slice %arg7[%arg1, %run_scoped3A, %dma_start3A_173] : memref<16x250x80xi32, #tpu.memory_space<hbm>> -> memref<1x1x80xi32, #tpu.memory_space<hbm>>
      %dma_start3A_175 = tpu.memref_squeeze %dma_start3A_174 : memref<1x1x80xi32, #tpu.memory_space<hbm>> -> memref<80xi32, #tpu.memory_space<hbm>>
      %dma_start3A_176 = arith.constant 0 : i32
      %dma_start3A_177 = tpu.memref_slice %arg7[%arg1, %run_scoped3A, %dma_start3A_176] : memref<16x250x80xi32, #tpu.memory_space<hbm>> -> memref<1x1x80xi32, #tpu.memory_space<hbm>>
      %dma_start3A_178 = tpu.memref_squeeze %dma_start3A_177 : memref<1x1x80xi32, #tpu.memory_space<hbm>> -> memref<80xi32, #tpu.memory_space<hbm>>
      tpu.enqueue_dma source(%dma_start3A_178 : memref<80xi32, #tpu.memory_space<hbm>>) target(%arg13 : memref<80xi32, #tpu.memory_space<vmem>>) target_semaphore(%run_scoped3A_172 : memref<!tpu.dma_semaphore, #tpu.memory_space<semaphore_mem>>)
      %dma_wait3A_179 = arith.constant 0 : i32
      %dma_wait3A_180 = tpu.memref_slice %arg7[%arg1, %run_scoped3A, %dma_wait3A_179] : memref<16x250x80xi32, #tpu.memory_space<hbm>> -> memref<1x1x80xi32, #tpu.memory_space<hbm>>
      %dma_wait3A_181 = tpu.memref_squeeze %dma_wait3A_180 : memref<1x1x80xi32, #tpu.memory_space<hbm>> -> memref<80xi32, #tpu.memory_space<hbm>>
      %dma_wait3A_182 = arith.constant 0 : i32
      %dma_wait3A_183 = tpu.memref_slice %arg7[%arg1, %run_scoped3A, %dma_wait3A_182] : memref<16x250x80xi32, #tpu.memory_space<hbm>> -> memref<1x1x80xi32, #tpu.memory_space<hbm>>
      %dma_wait3A_184 = tpu.memref_squeeze %dma_wait3A_183 : memref<1x1x80xi32, #tpu.memory_space<hbm>> -> memref<80xi32, #tpu.memory_space<hbm>>
      tpu.wait_dma2 semaphore(%run_scoped3A_172 : memref<!tpu.dma_semaphore, #tpu.memory_space<semaphore_mem>>) src(%dma_wait3A_184 : memref<80xi32, #tpu.memory_space<hbm>>) dst(%arg13 : memref<80xi32, #tpu.memory_space<vmem>>)
      tpu.yield
    }) : () -> ()
    %barrier3A = arith.constant 0 : index
    tpu.barrier barrier_id(%barrier3A)
    %dma_start3A = arith.constant 0 : i32
    %dma_start3A_24 = arith.constant 0 : i32
    %dma_start3A_25 = tpu.memref_slice %arg20[%dma_start3A, %dma_start3A_24] : memref<10240x80xf32, #tpu.memory_space<vmem_shared>> -> memref<10240x80xf32, #tpu.memory_space<vmem_shared>>
    tpu.enqueue_indirect_dma source(%arg19 : memref<80x80xf32, #tpu.memory_space<vmem>>) target(%dma_start3A_25 : memref<10240x80xf32, #tpu.memory_space<vmem_shared>>) offsets(%arg13 : memref<80xi32, #tpu.memory_space<vmem>>) semaphore(%arg28 : memref<!tpu.dma_semaphore, #tpu.memory_space<semaphore_mem>>) {add = true}
    %eq3A = arith.constant 0 : i32
    %eq3A_26 = arith.cmpi eq, %arg0, %eq3A : i32
    %convert_element_type3A = arith.extui %eq3A_26 : i1 to i32
    %cond3A = arith.constant 0 : i32
    %cond3A_27 = arith.cmpi ne, %convert_element_type3A, %cond3A : i32
    scf.if %cond3A_27 {
      %add3A_172 = arith.constant 80 : i32
      %add3A_173 = arith.addi %mul3A_2, %add3A_172 : i32
      %dma_start3A_174 = arith.constant 0 : i32
      %dma_start3A_175 = arith.constant 64 : i32
      %dma_start3A_176 = tpu.memref_slice %arg19[%dma_start3A_174, %dma_start3A_175] : memref<80x80xf32, #tpu.memory_space<vmem>> -> memref<80x16xf32, #tpu.memory_space<vmem>>
      %dma_start3A_177 = arith.constant 0 : i32
      %dma_start3A_178 = tpu.memref_slice %arg8[%add3A_173, %dma_start3A_177] : memref<320000x16xf32, #tpu.memory_space<hbm>> -> memref<80x16xf32, #tpu.memory_space<hbm>>
      %dma_start3A_179 = arith.constant 0 : i32
      %dma_start3A_180 = tpu.memref_slice %arg8[%add3A_173, %dma_start3A_179] : memref<320000x16xf32, #tpu.memory_space<hbm>> -> memref<80x16xf32, #tpu.memory_space<hbm>>
      %dma_start3A_181 = arith.constant 0 : i32
      %dma_start3A_182 = arith.constant 64 : i32
      %dma_start3A_183 = tpu.memref_slice %arg19[%dma_start3A_181, %dma_start3A_182] : memref<80x80xf32, #tpu.memory_space<vmem>> -> memref<80x16xf32, #tpu.memory_space<vmem>>
      tpu.enqueue_dma source(%dma_start3A_183 : memref<80x16xf32, #tpu.memory_space<vmem>>) target(%dma_start3A_180 : memref<80x16xf32, #tpu.memory_space<hbm>>) target_semaphore(%arg30 : memref<!tpu.dma_semaphore, #tpu.memory_space<semaphore_mem>>)
    } else {
    }
    %dma_start3A_28 = arith.constant 0 : i32
    %dma_start3A_29 = arith.constant 0 : i32
    %dma_start3A_30 = tpu.memref_slice %arg7[%arg1, %dma_start3A_28, %dma_start3A_29] : memref<16x250x80xi32, #tpu.memory_space<hbm>> -> memref<1x1x80xi32, #tpu.memory_space<hbm>>
    %dma_start3A_31 = tpu.memref_squeeze %dma_start3A_30 : memref<1x1x80xi32, #tpu.memory_space<hbm>> -> memref<80xi32, #tpu.memory_space<hbm>>
    %dma_start3A_32 = arith.constant 0 : i32
    %dma_start3A_33 = tpu.memref_slice %arg7[%arg1, %dma_start3A_28, %dma_start3A_32] : memref<16x250x80xi32, #tpu.memory_space<hbm>> -> memref<1x1x80xi32, #tpu.memory_space<hbm>>
    %dma_start3A_34 = tpu.memref_squeeze %dma_start3A_33 : memref<1x1x80xi32, #tpu.memory_space<hbm>> -> memref<80xi32, #tpu.memory_space<hbm>>
    tpu.enqueue_dma source(%dma_start3A_34 : memref<80xi32, #tpu.memory_space<hbm>>) target(%arg12 : memref<80xi32, #tpu.memory_space<vmem>>) target_semaphore(%arg25 : memref<!tpu.dma_semaphore, #tpu.memory_space<semaphore_mem>>)
    %dma_start3A_35 = arith.constant 0 : i32
    %dma_start3A_36 = arith.constant 0 : i32
    %dma_start3A_37 = tpu.memref_slice %arg10[%dma_start3A_35, %dma_start3A_36] : memref<250x80xi32, #tpu.memory_space<vmem>> -> memref<1x80xi32, #tpu.memory_space<vmem>>
    %dma_start3A_38 = tpu.memref_squeeze %dma_start3A_37 : memref<1x80xi32, #tpu.memory_space<vmem>> -> memref<80xi32, #tpu.memory_space<vmem>>
    %dma_start3A_39 = arith.constant 0 : i32
    %dma_start3A_40 = arith.constant 0 : i32
    %dma_start3A_41 = tpu.memref_slice %arg2[%dma_start3A_39, %dma_start3A_40] : memref<20000x80xf32, #tpu.memory_space<hbm>> -> memref<20000x80xf32, #tpu.memory_space<hbm>>
    tpu.enqueue_indirect_dma source(%dma_start3A_41 : memref<20000x80xf32, #tpu.memory_space<hbm>>) target(%arg14 : memref<80x80xf32, #tpu.memory_space<vmem>>) offsets(%dma_start3A_38 : memref<80xi32, #tpu.memory_space<vmem>>) semaphore(%arg21 : memref<!tpu.dma_semaphore, #tpu.memory_space<semaphore_mem>>)
    %dma_start3A_42 = arith.constant 0 : i32
    %dma_start3A_43 = arith.constant 0 : i32
    %dma_start3A_44 = tpu.memref_slice %arg11[%dma_start3A_42, %dma_start3A_43] : memref<250x80xi32, #tpu.memory_space<vmem>> -> memref<1x80xi32, #tpu.memory_space<vmem>>
    %dma_start3A_45 = tpu.memref_squeeze %dma_start3A_44 : memref<1x80xi32, #tpu.memory_space<vmem>> -> memref<80xi32, #tpu.memory_space<vmem>>
    %dma_start3A_46 = arith.constant 0 : i32
    %dma_start3A_47 = arith.constant 0 : i32
    %dma_start3A_48 = tpu.memref_slice %arg3[%dma_start3A_46, %dma_start3A_47] : memref<20000x80xf32, #tpu.memory_space<hbm>> -> memref<20000x80xf32, #tpu.memory_space<hbm>>
    tpu.enqueue_indirect_dma source(%dma_start3A_48 : memref<20000x80xf32, #tpu.memory_space<hbm>>) target(%arg16 : memref<80x80xf32, #tpu.memory_space<vmem>>) offsets(%dma_start3A_45 : memref<80xi32, #tpu.memory_space<vmem>>) semaphore(%arg21 : memref<!tpu.dma_semaphore, #tpu.memory_space<semaphore_mem>>)
    %add3A_49 = arith.constant 0 : i32
    %add3A_50 = arith.addi %mul3A_2, %add3A_49 : i32
    %dma_start3A_51 = arith.constant 0 : i32
    %dma_start3A_52 = tpu.memref_slice %arg4[%arg0, %add3A_50, %dma_start3A_51] : memref<2x320000x80xf32, #tpu.memory_space<hbm>> -> memref<1x80x80xf32, #tpu.memory_space<hbm>>
    %dma_start3A_53 = tpu.memref_squeeze %dma_start3A_52 : memref<1x80x80xf32, #tpu.memory_space<hbm>> -> memref<80x80xf32, #tpu.memory_space<hbm>>
    %dma_start3A_54 = arith.constant 0 : i32
    %dma_start3A_55 = tpu.memref_slice %arg4[%arg0, %add3A_50, %dma_start3A_54] : memref<2x320000x80xf32, #tpu.memory_space<hbm>> -> memref<1x80x80xf32, #tpu.memory_space<hbm>>
    %dma_start3A_56 = tpu.memref_squeeze %dma_start3A_55 : memref<1x80x80xf32, #tpu.memory_space<hbm>> -> memref<80x80xf32, #tpu.memory_space<hbm>>
    tpu.enqueue_dma source(%dma_start3A_56 : memref<80x80xf32, #tpu.memory_space<hbm>>) target(%arg18 : memref<80x80xf32, #tpu.memory_space<vmem>>) target_semaphore(%arg23 : memref<!tpu.dma_semaphore, #tpu.memory_space<semaphore_mem>>)
    %scan3A_57 = arith.constant 0 : i32
    %scan3A_58 = arith.constant 0 : i32
    %scan3A_59 = arith.constant 125 : i32
    %scan3A_60 = arith.addi %scan3A_58, %scan3A_59 : i32
    %scan3A_61 = arith.constant 1 : i32
    %scan3A_62 = scf.for %scan3A_172 = %scan3A_58 to %scan3A_60 step %scan3A_61 iter_args(%scan3A_173 = %scan3A_57) -> (i32)  : i32 {
      %mul3A_174 = arith.constant 2 : i32
      %mul3A_175 = arith.muli %mul3A_174, %scan3A_172 : i32
      %dma_wait3A_176 = arith.constant 0 : i32
      %dma_wait3A_177 = arith.constant 0 : i32
      %dma_wait3A_178 = tpu.memref_slice %arg10[%dma_wait3A_176, %dma_wait3A_177] : memref<250x80xi32, #tpu.memory_space<vmem>> -> memref<1x80xi32, #tpu.memory_space<vmem>>
      %dma_wait3A_179 = tpu.memref_squeeze %dma_wait3A_178 : memref<1x80xi32, #tpu.memory_space<vmem>> -> memref<80xi32, #tpu.memory_space<vmem>>
      %dma_wait3A_180 = arith.constant 0 : i32
      %dma_wait3A_181 = arith.constant 0 : i32
      %dma_wait3A_182 = tpu.memref_slice %arg2[%dma_wait3A_180, %dma_wait3A_181] : memref<20000x80xf32, #tpu.memory_space<hbm>> -> memref<20000x80xf32, #tpu.memory_space<hbm>>
      tpu.wait_indirect_dma semaphore(%arg21 : memref<!tpu.dma_semaphore, #tpu.memory_space<semaphore_mem>>) src(%dma_wait3A_182 : memref<20000x80xf32, #tpu.memory_space<hbm>>) dst(%arg14 : memref<80x80xf32, #tpu.memory_space<vmem>>)
      %dma_wait3A_183 = arith.constant 0 : i32
      %dma_wait3A_184 = arith.constant 0 : i32
      %dma_wait3A_185 = tpu.memref_slice %arg11[%dma_wait3A_183, %dma_wait3A_184] : memref<250x80xi32, #tpu.memory_space<vmem>> -> memref<1x80xi32, #tpu.memory_space<vmem>>
      %dma_wait3A_186 = tpu.memref_squeeze %dma_wait3A_185 : memref<1x80xi32, #tpu.memory_space<vmem>> -> memref<80xi32, #tpu.memory_space<vmem>>
      %dma_wait3A_187 = arith.constant 0 : i32
      %dma_wait3A_188 = arith.constant 0 : i32
      %dma_wait3A_189 = tpu.memref_slice %arg3[%dma_wait3A_187, %dma_wait3A_188] : memref<20000x80xf32, #tpu.memory_space<hbm>> -> memref<20000x80xf32, #tpu.memory_space<hbm>>
      tpu.wait_indirect_dma semaphore(%arg21 : memref<!tpu.dma_semaphore, #tpu.memory_space<semaphore_mem>>) src(%dma_wait3A_189 : memref<20000x80xf32, #tpu.memory_space<hbm>>) dst(%arg16 : memref<80x80xf32, #tpu.memory_space<vmem>>)
      %dma_wait3A_190 = arith.constant 0 : i32
      %dma_wait3A_191 = arith.constant 0 : i32
      %dma_wait3A_192 = tpu.memref_slice %arg4[%arg0, %dma_wait3A_190, %dma_wait3A_191] : memref<2x320000x80xf32, #tpu.memory_space<hbm>> -> memref<1x80x80xf32, #tpu.memory_space<hbm>>
      %dma_wait3A_193 = tpu.memref_squeeze %dma_wait3A_192 : memref<1x80x80xf32, #tpu.memory_space<hbm>> -> memref<80x80xf32, #tpu.memory_space<hbm>>
      %dma_wait3A_194 = arith.constant 0 : i32
      %dma_wait3A_195 = arith.constant 0 : i32
      %dma_wait3A_196 = tpu.memref_slice %arg4[%arg0, %dma_wait3A_194, %dma_wait3A_195] : memref<2x320000x80xf32, #tpu.memory_space<hbm>> -> memref<1x80x80xf32, #tpu.memory_space<hbm>>
      %dma_wait3A_197 = tpu.memref_squeeze %dma_wait3A_196 : memref<1x80x80xf32, #tpu.memory_space<hbm>> -> memref<80x80xf32, #tpu.memory_space<hbm>>
      tpu.wait_dma2 semaphore(%arg23 : memref<!tpu.dma_semaphore, #tpu.memory_space<semaphore_mem>>) src(%dma_wait3A_197 : memref<80x80xf32, #tpu.memory_space<hbm>>) dst(%arg18 : memref<80x80xf32, #tpu.memory_space<vmem>>)
      %dma_wait3A_198 = arith.constant 0 : i32
      %dma_wait3A_199 = arith.constant 0 : i32
      %dma_wait3A_200 = tpu.memref_slice %arg20[%dma_wait3A_198, %dma_wait3A_199] : memref<10240x80xf32, #tpu.memory_space<vmem_shared>> -> memref<10240x80xf32, #tpu.memory_space<vmem_shared>>
      tpu.wait_indirect_dma semaphore(%arg28 : memref<!tpu.dma_semaphore, #tpu.memory_space<semaphore_mem>>) src(%arg19 : memref<80x80xf32, #tpu.memory_space<vmem>>) dst(%dma_wait3A_200 : memref<10240x80xf32, #tpu.memory_space<vmem_shared>>)
      %eq3A_201 = arith.constant 0 : i32
      %eq3A_202 = arith.cmpi eq, %arg0, %eq3A_201 : i32
      %convert_element_type3A_203 = arith.extui %eq3A_202 : i1 to i32
      %cond3A_204 = arith.constant 0 : i32
      %cond3A_205 = arith.cmpi ne, %convert_element_type3A_203, %cond3A_204 : i32
      scf.if %cond3A_205 {
        %dma_wait3A_346 = arith.constant 0 : i32
        %dma_wait3A_347 = arith.constant 64 : i32
        %dma_wait3A_348 = tpu.memref_slice %arg19[%dma_wait3A_346, %dma_wait3A_347] : memref<80x80xf32, #tpu.memory_space<vmem>> -> memref<80x16xf32, #tpu.memory_space<vmem>>
        %dma_wait3A_349 = arith.constant 0 : i32
        %dma_wait3A_350 = arith.constant 0 : i32
        %dma_wait3A_351 = tpu.memref_slice %arg8[%dma_wait3A_349, %dma_wait3A_350] : memref<320000x16xf32, #tpu.memory_space<hbm>> -> memref<80x16xf32, #tpu.memory_space<hbm>>
        %dma_wait3A_352 = arith.constant 0 : i32
        %dma_wait3A_353 = arith.constant 0 : i32
        %dma_wait3A_354 = tpu.memref_slice %arg8[%dma_wait3A_352, %dma_wait3A_353] : memref<320000x16xf32, #tpu.memory_space<hbm>> -> memref<80x16xf32, #tpu.memory_space<hbm>>
        %dma_wait3A_355 = arith.constant 0 : i32
        %dma_wait3A_356 = arith.constant 64 : i32
        %dma_wait3A_357 = tpu.memref_slice %arg19[%dma_wait3A_355, %dma_wait3A_356] : memref<80x80xf32, #tpu.memory_space<vmem>> -> memref<80x16xf32, #tpu.memory_space<vmem>>
        tpu.wait_dma2 semaphore(%arg30 : memref<!tpu.dma_semaphore, #tpu.memory_space<semaphore_mem>>) src(%dma_wait3A_357 : memref<80x16xf32, #tpu.memory_space<vmem>>) dst(%dma_wait3A_354 : memref<80x16xf32, #tpu.memory_space<hbm>>)
      } else {
      }
      %add3A_206 = arith.constant 1 : i32
      %add3A_207 = arith.addi %mul3A_175, %add3A_206 : i32
      %min3A = arith.constant 249 : i32
      %min3A_208 = arith.minsi %add3A_207, %min3A : i32
      %dma_start3A_209 = arith.constant 0 : i32
      %dma_start3A_210 = tpu.memref_slice %arg7[%arg1, %min3A_208, %dma_start3A_209] : memref<16x250x80xi32, #tpu.memory_space<hbm>> -> memref<1x1x80xi32, #tpu.memory_space<hbm>>
      %dma_start3A_211 = tpu.memref_squeeze %dma_start3A_210 : memref<1x1x80xi32, #tpu.memory_space<hbm>> -> memref<80xi32, #tpu.memory_space<hbm>>
      %dma_start3A_212 = arith.constant 0 : i32
      %dma_start3A_213 = tpu.memref_slice %arg7[%arg1, %min3A_208, %dma_start3A_212] : memref<16x250x80xi32, #tpu.memory_space<hbm>> -> memref<1x1x80xi32, #tpu.memory_space<hbm>>
      %dma_start3A_214 = tpu.memref_squeeze %dma_start3A_213 : memref<1x1x80xi32, #tpu.memory_space<hbm>> -> memref<80xi32, #tpu.memory_space<hbm>>
      tpu.enqueue_dma source(%dma_start3A_214 : memref<80xi32, #tpu.memory_space<hbm>>) target(%arg13 : memref<80xi32, #tpu.memory_space<vmem>>) target_semaphore(%arg26 : memref<!tpu.dma_semaphore, #tpu.memory_space<semaphore_mem>>)
      %dma_start3A_215 = arith.constant 0 : i32
      %dma_start3A_216 = tpu.memref_slice %arg10[%min3A_208, %dma_start3A_215] : memref<250x80xi32, #tpu.memory_space<vmem>> -> memref<1x80xi32, #tpu.memory_space<vmem>>
      %dma_start3A_217 = tpu.memref_squeeze %dma_start3A_216 : memref<1x80xi32, #tpu.memory_space<vmem>> -> memref<80xi32, #tpu.memory_space<vmem>>
      %dma_start3A_218 = arith.constant 0 : i32
      %dma_start3A_219 = arith.constant 0 : i32
      %dma_start3A_220 = tpu.memref_slice %arg2[%dma_start3A_218, %dma_start3A_219] : memref<20000x80xf32, #tpu.memory_space<hbm>> -> memref<20000x80xf32, #tpu.memory_space<hbm>>
      tpu.enqueue_indirect_dma source(%dma_start3A_220 : memref<20000x80xf32, #tpu.memory_space<hbm>>) target(%arg15 : memref<80x80xf32, #tpu.memory_space<vmem>>) offsets(%dma_start3A_217 : memref<80xi32, #tpu.memory_space<vmem>>) semaphore(%arg22 : memref<!tpu.dma_semaphore, #tpu.memory_space<semaphore_mem>>)
      %dma_start3A_221 = arith.constant 0 : i32
      %dma_start3A_222 = tpu.memref_slice %arg11[%min3A_208, %dma_start3A_221] : memref<250x80xi32, #tpu.memory_space<vmem>> -> memref<1x80xi32, #tpu.memory_space<vmem>>
      %dma_start3A_223 = tpu.memref_squeeze %dma_start3A_222 : memref<1x80xi32, #tpu.memory_space<vmem>> -> memref<80xi32, #tpu.memory_space<vmem>>
      %dma_start3A_224 = arith.constant 0 : i32
      %dma_start3A_225 = arith.constant 0 : i32
      %dma_start3A_226 = tpu.memref_slice %arg3[%dma_start3A_224, %dma_start3A_225] : memref<20000x80xf32, #tpu.memory_space<hbm>> -> memref<20000x80xf32, #tpu.memory_space<hbm>>
      tpu.enqueue_indirect_dma source(%dma_start3A_226 : memref<20000x80xf32, #tpu.memory_space<hbm>>) target(%arg17 : memref<80x80xf32, #tpu.memory_space<vmem>>) offsets(%dma_start3A_223 : memref<80xi32, #tpu.memory_space<vmem>>) semaphore(%arg22 : memref<!tpu.dma_semaphore, #tpu.memory_space<semaphore_mem>>)
      %mul3A_227 = arith.constant 80 : i32
      %mul3A_228 = arith.muli %min3A_208, %mul3A_227 : i32
      %add3A_229 = arith.addi %mul3A_2, %mul3A_228 : i32
      %dma_start3A_230 = arith.constant 0 : i32
      %dma_start3A_231 = tpu.memref_slice %arg4[%arg0, %add3A_229, %dma_start3A_230] : memref<2x320000x80xf32, #tpu.memory_space<hbm>> -> memref<1x80x80xf32, #tpu.memory_space<hbm>>
      %dma_start3A_232 = tpu.memref_squeeze %dma_start3A_231 : memref<1x80x80xf32, #tpu.memory_space<hbm>> -> memref<80x80xf32, #tpu.memory_space<hbm>>
      %dma_start3A_233 = arith.constant 0 : i32
      %dma_start3A_234 = tpu.memref_slice %arg4[%arg0, %add3A_229, %dma_start3A_233] : memref<2x320000x80xf32, #tpu.memory_space<hbm>> -> memref<1x80x80xf32, #tpu.memory_space<hbm>>
      %dma_start3A_235 = tpu.memref_squeeze %dma_start3A_234 : memref<1x80x80xf32, #tpu.memory_space<hbm>> -> memref<80x80xf32, #tpu.memory_space<hbm>>
      tpu.enqueue_dma source(%dma_start3A_235 : memref<80x80xf32, #tpu.memory_space<hbm>>) target(%arg19 : memref<80x80xf32, #tpu.memory_space<vmem>>) target_semaphore(%arg24 : memref<!tpu.dma_semaphore, #tpu.memory_space<semaphore_mem>>)
      %scan3A_236 = arith.constant 0 : i32
      %scan3A_237 = arith.constant 0 : i32
      %scan3A_238 = arith.constant 80 : i32
      %scan3A_239 = arith.addi %scan3A_237, %scan3A_238 : i32
      %scan3A_240 = arith.constant 1 : i32
      %scan3A_241 = scf.for %scan3A_346 = %scan3A_237 to %scan3A_239 step %scan3A_240 iter_args(%scan3A_347 = %scan3A_236) -> (i32)  : i32 {
        %get3A = arith.index_cast %scan3A_346 : i32 to index
        %get3A_348 = arith.constant 0 : index
        %get3A_349 = tpu.vector_load %arg18[%get3A, %get3A_348] {strides = array<i32>} : memref<80x80xf32, #tpu.memory_space<vmem>>, vector<1x16xf32>,
        %get3A_350 = vector.shape_cast %get3A_349 : vector<1x16xf32> to vector<16xf32>
        %get3A_351 = arith.index_cast %scan3A_346 : i32 to index
        %get3A_352 = arith.constant 0 : index
        %get3A_353 = tpu.vector_load %arg14[%get3A_351, %get3A_352] {strides = array<i32>} : memref<80x80xf32, #tpu.memory_space<vmem>>, vector<1x16xf32>,
        %get3A_354 = vector.shape_cast %get3A_353 : vector<1x16xf32> to vector<16xf32>
        %add3A_355 = arith.addf %get3A_350, %get3A_354 : vector<16xf32>
        %get3A_356 = arith.index_cast %scan3A_346 : i32 to index
        %get3A_357 = arith.constant 0 : index
        %get3A_358 = tpu.vector_load %arg16[%get3A_356, %get3A_357] {strides = array<i32>} : memref<80x80xf32, #tpu.memory_space<vmem>>, vector<1x16xf32>,
        %get3A_359 = vector.shape_cast %get3A_358 : vector<1x16xf32> to vector<16xf32>
        %add3A_360 = arith.addf %add3A_355, %get3A_359 : vector<16xf32>
        %mul3A_361 = arith.constant 0.00999999977 : f32
        %mul3A_362 = vector.broadcast %mul3A_361 : f32 to vector<16xf32>
        %mul3A_363 = arith.mulf %mul3A_362, %add3A_360 : vector<16xf32>
        %max3A = arith.maximumf %add3A_360, %mul3A_363 : vector<16xf32>
        %swap3A = arith.index_cast %scan3A_346 : i32 to index
        %swap3A_364 = arith.constant 0 : index
        %swap3A_365 = tpu.vector_load %arg18[%swap3A, %swap3A_364] {strides = array<i32>} : memref<80x80xf32, #tpu.memory_space<vmem>>, vector<1x16xf32>,
        %swap3A_366 = vector.shape_cast %swap3A_365 : vector<1x16xf32> to vector<16xf32>
        %swap3A_367 = vector.shape_cast %max3A : vector<16xf32> to vector<1x16xf32>
        tpu.vector_store %arg18[%swap3A, %swap3A_364], %swap3A_367 {strides = array<i32>} : memref<80x80xf32, #tpu.memory_space<vmem>>, vector<1x16xf32>,
        %get3A_368 = arith.index_cast %scan3A_346 : i32 to index
        %get3A_369 = arith.constant 16 : index
        %get3A_370 = tpu.vector_load %arg18[%get3A_368, %get3A_369] {strides = array<i32>} : memref<80x80xf32, #tpu.memory_space<vmem>>, vector<1x16xf32>,
        %get3A_371 = vector.shape_cast %get3A_370 : vector<1x16xf32> to vector<16xf32>
        %get3A_372 = arith.index_cast %scan3A_346 : i32 to index
        %get3A_373 = arith.constant 16 : index
        %get3A_374 = tpu.vector_load %arg14[%get3A_372, %get3A_373] {strides = array<i32>} : memref<80x80xf32, #tpu.memory_space<vmem>>, vector<1x16xf32>,
        %get3A_375 = vector.shape_cast %get3A_374 : vector<1x16xf32> to vector<16xf32>
        %add3A_376 = arith.addf %get3A_371, %get3A_375 : vector<16xf32>
        %get3A_377 = arith.index_cast %scan3A_346 : i32 to index
        %get3A_378 = arith.constant 16 : index
        %get3A_379 = tpu.vector_load %arg16[%get3A_377, %get3A_378] {strides = array<i32>} : memref<80x80xf32, #tpu.memory_space<vmem>>, vector<1x16xf32>,
        %get3A_380 = vector.shape_cast %get3A_379 : vector<1x16xf32> to vector<16xf32>
        %add3A_381 = arith.addf %add3A_376, %get3A_380 : vector<16xf32>
        %mul3A_382 = arith.constant 0.00999999977 : f32
        %mul3A_383 = vector.broadcast %mul3A_382 : f32 to vector<16xf32>
        %mul3A_384 = arith.mulf %mul3A_383, %add3A_381 : vector<16xf32>
        %max3A_385 = arith.maximumf %add3A_381, %mul3A_384 : vector<16xf32>
        %swap3A_386 = arith.index_cast %scan3A_346 : i32 to index
        %swap3A_387 = arith.constant 16 : index
        %swap3A_388 = tpu.vector_load %arg18[%swap3A_386, %swap3A_387] {strides = array<i32>} : memref<80x80xf32, #tpu.memory_space<vmem>>, vector<1x16xf32>,
        %swap3A_389 = vector.shape_cast %swap3A_388 : vector<1x16xf32> to vector<16xf32>
        %swap3A_390 = vector.shape_cast %max3A_385 : vector<16xf32> to vector<1x16xf32>
        tpu.vector_store %arg18[%swap3A_386, %swap3A_387], %swap3A_390 {strides = array<i32>} : memref<80x80xf32, #tpu.memory_space<vmem>>, vector<1x16xf32>,
        %get3A_391 = arith.index_cast %scan3A_346 : i32 to index
        %get3A_392 = arith.constant 32 : index
        %get3A_393 = tpu.vector_load %arg18[%get3A_391, %get3A_392] {strides = array<i32>} : memref<80x80xf32, #tpu.memory_space<vmem>>, vector<1x16xf32>,
        %get3A_394 = vector.shape_cast %get3A_393 : vector<1x16xf32> to vector<16xf32>
        %get3A_395 = arith.index_cast %scan3A_346 : i32 to index
        %get3A_396 = arith.constant 32 : index
        %get3A_397 = tpu.vector_load %arg14[%get3A_395, %get3A_396] {strides = array<i32>} : memref<80x80xf32, #tpu.memory_space<vmem>>, vector<1x16xf32>,
        %get3A_398 = vector.shape_cast %get3A_397 : vector<1x16xf32> to vector<16xf32>
        %add3A_399 = arith.addf %get3A_394, %get3A_398 : vector<16xf32>
        %get3A_400 = arith.index_cast %scan3A_346 : i32 to index
        %get3A_401 = arith.constant 32 : index
        %get3A_402 = tpu.vector_load %arg16[%get3A_400, %get3A_401] {strides = array<i32>} : memref<80x80xf32, #tpu.memory_space<vmem>>, vector<1x16xf32>,
        %get3A_403 = vector.shape_cast %get3A_402 : vector<1x16xf32> to vector<16xf32>
        %add3A_404 = arith.addf %add3A_399, %get3A_403 : vector<16xf32>
        %mul3A_405 = arith.constant 0.00999999977 : f32
        %mul3A_406 = vector.broadcast %mul3A_405 : f32 to vector<16xf32>
        %mul3A_407 = arith.mulf %mul3A_406, %add3A_404 : vector<16xf32>
        %max3A_408 = arith.maximumf %add3A_404, %mul3A_407 : vector<16xf32>
        %swap3A_409 = arith.index_cast %scan3A_346 : i32 to index
        %swap3A_410 = arith.constant 32 : index
        %swap3A_411 = tpu.vector_load %arg18[%swap3A_409, %swap3A_410] {strides = array<i32>} : memref<80x80xf32, #tpu.memory_space<vmem>>, vector<1x16xf32>,
        %swap3A_412 = vector.shape_cast %swap3A_411 : vector<1x16xf32> to vector<16xf32>
        %swap3A_413 = vector.shape_cast %max3A_408 : vector<16xf32> to vector<1x16xf32>
        tpu.vector_store %arg18[%swap3A_409, %swap3A_410], %swap3A_413 {strides = array<i32>} : memref<80x80xf32, #tpu.memory_space<vmem>>, vector<1x16xf32>,
        %get3A_414 = arith.index_cast %scan3A_346 : i32 to index
        %get3A_415 = arith.constant 48 : index
        %get3A_416 = tpu.vector_load %arg18[%get3A_414, %get3A_415] {strides = array<i32>} : memref<80x80xf32, #tpu.memory_space<vmem>>, vector<1x16xf32>,
        %get3A_417 = vector.shape_cast %get3A_416 : vector<1x16xf32> to vector<16xf32>
        %get3A_418 = arith.index_cast %scan3A_346 : i32 to index
        %get3A_419 = arith.constant 48 : index
        %get3A_420 = tpu.vector_load %arg14[%get3A_418, %get3A_419] {strides = array<i32>} : memref<80x80xf32, #tpu.memory_space<vmem>>, vector<1x16xf32>,
        %get3A_421 = vector.shape_cast %get3A_420 : vector<1x16xf32> to vector<16xf32>
        %add3A_422 = arith.addf %get3A_417, %get3A_421 : vector<16xf32>
        %get3A_423 = arith.index_cast %scan3A_346 : i32 to index
        %get3A_424 = arith.constant 48 : index
        %get3A_425 = tpu.vector_load %arg16[%get3A_423, %get3A_424] {strides = array<i32>} : memref<80x80xf32, #tpu.memory_space<vmem>>, vector<1x16xf32>,
        %get3A_426 = vector.shape_cast %get3A_425 : vector<1x16xf32> to vector<16xf32>
        %add3A_427 = arith.addf %add3A_422, %get3A_426 : vector<16xf32>
        %mul3A_428 = arith.constant 0.00999999977 : f32
        %mul3A_429 = vector.broadcast %mul3A_428 : f32 to vector<16xf32>
        %mul3A_430 = arith.mulf %mul3A_429, %add3A_427 : vector<16xf32>
        %max3A_431 = arith.maximumf %add3A_427, %mul3A_430 : vector<16xf32>
        %swap3A_432 = arith.index_cast %scan3A_346 : i32 to index
        %swap3A_433 = arith.constant 48 : index
        %swap3A_434 = tpu.vector_load %arg18[%swap3A_432, %swap3A_433] {strides = array<i32>} : memref<80x80xf32, #tpu.memory_space<vmem>>, vector<1x16xf32>,
        %swap3A_435 = vector.shape_cast %swap3A_434 : vector<1x16xf32> to vector<16xf32>
        %swap3A_436 = vector.shape_cast %max3A_431 : vector<16xf32> to vector<1x16xf32>
        tpu.vector_store %arg18[%swap3A_432, %swap3A_433], %swap3A_436 {strides = array<i32>} : memref<80x80xf32, #tpu.memory_space<vmem>>, vector<1x16xf32>,
        %get3A_437 = arith.index_cast %scan3A_346 : i32 to index
        %get3A_438 = arith.constant 64 : index
        %get3A_439 = tpu.vector_load %arg18[%get3A_437, %get3A_438] {strides = array<i32>} : memref<80x80xf32, #tpu.memory_space<vmem>>, vector<1x16xf32>,
        %get3A_440 = vector.shape_cast %get3A_439 : vector<1x16xf32> to vector<16xf32>
        %get3A_441 = arith.index_cast %scan3A_346 : i32 to index
        %get3A_442 = arith.constant 64 : index
        %get3A_443 = tpu.vector_load %arg14[%get3A_441, %get3A_442] {strides = array<i32>} : memref<80x80xf32, #tpu.memory_space<vmem>>, vector<1x16xf32>,
        %get3A_444 = vector.shape_cast %get3A_443 : vector<1x16xf32> to vector<16xf32>
        %add3A_445 = arith.addf %get3A_440, %get3A_444 : vector<16xf32>
        %get3A_446 = arith.index_cast %scan3A_346 : i32 to index
        %get3A_447 = arith.constant 64 : index
        %get3A_448 = tpu.vector_load %arg16[%get3A_446, %get3A_447] {strides = array<i32>} : memref<80x80xf32, #tpu.memory_space<vmem>>, vector<1x16xf32>,
        %get3A_449 = vector.shape_cast %get3A_448 : vector<1x16xf32> to vector<16xf32>
        %add3A_450 = arith.addf %add3A_445, %get3A_449 : vector<16xf32>
        %mul3A_451 = arith.constant 0.00999999977 : f32
        %mul3A_452 = vector.broadcast %mul3A_451 : f32 to vector<16xf32>
        %mul3A_453 = arith.mulf %mul3A_452, %add3A_450 : vector<16xf32>
        %max3A_454 = arith.maximumf %add3A_450, %mul3A_453 : vector<16xf32>
        %swap3A_455 = arith.index_cast %scan3A_346 : i32 to index
        %swap3A_456 = arith.constant 64 : index
        %swap3A_457 = tpu.vector_load %arg18[%swap3A_455, %swap3A_456] {strides = array<i32>} : memref<80x80xf32, #tpu.memory_space<vmem>>, vector<1x16xf32>,
        %swap3A_458 = vector.shape_cast %swap3A_457 : vector<1x16xf32> to vector<16xf32>
        %swap3A_459 = vector.shape_cast %max3A_454 : vector<16xf32> to vector<1x16xf32>
        tpu.vector_store %arg18[%swap3A_455, %swap3A_456], %swap3A_459 {strides = array<i32>} : memref<80x80xf32, #tpu.memory_space<vmem>>, vector<1x16xf32>,
        %scan3A_460 = arith.constant 0 : i32
        scf.yield %scan3A_460 : i32
      }
      %scan3A_242 = arith.constant 80 : i32
      %dma_wait3A_243 = arith.constant 0 : i32
      %dma_wait3A_244 = arith.constant 0 : i32
      %dma_wait3A_245 = tpu.memref_slice %arg7[%arg1, %dma_wait3A_243, %dma_wait3A_244] : memref<16x250x80xi32, #tpu.memory_space<hbm>> -> memref<1x1x80xi32, #tpu.memory_space<hbm>>
      %dma_wait3A_246 = tpu.memref_squeeze %dma_wait3A_245 : memref<1x1x80xi32, #tpu.memory_space<hbm>> -> memref<80xi32, #tpu.memory_space<hbm>>
      %dma_wait3A_247 = arith.constant 0 : i32
      %dma_wait3A_248 = tpu.memref_slice %arg7[%arg1, %dma_wait3A_243, %dma_wait3A_247] : memref<16x250x80xi32, #tpu.memory_space<hbm>> -> memref<1x1x80xi32, #tpu.memory_space<hbm>>
      %dma_wait3A_249 = tpu.memref_squeeze %dma_wait3A_248 : memref<1x1x80xi32, #tpu.memory_space<hbm>> -> memref<80xi32, #tpu.memory_space<hbm>>
      tpu.wait_dma2 semaphore(%arg25 : memref<!tpu.dma_semaphore, #tpu.memory_space<semaphore_mem>>) src(%dma_wait3A_249 : memref<80xi32, #tpu.memory_space<hbm>>) dst(%arg12 : memref<80xi32, #tpu.memory_space<vmem>>)
      %dma_start3A_250 = arith.constant 0 : i32
      %dma_start3A_251 = arith.constant 0 : i32
      %dma_start3A_252 = tpu.memref_slice %arg20[%dma_start3A_250, %dma_start3A_251] : memref<10240x80xf32, #tpu.memory_space<vmem_shared>> -> memref<10240x80xf32, #tpu.memory_space<vmem_shared>>
      tpu.enqueue_indirect_dma source(%arg18 : memref<80x80xf32, #tpu.memory_space<vmem>>) target(%dma_start3A_252 : memref<10240x80xf32, #tpu.memory_space<vmem_shared>>) offsets(%arg12 : memref<80xi32, #tpu.memory_space<vmem>>) semaphore(%arg27 : memref<!tpu.dma_semaphore, #tpu.memory_space<semaphore_mem>>) {add = true}
      %eq3A_253 = arith.constant 0 : i32
      %eq3A_254 = arith.cmpi eq, %arg0, %eq3A_253 : i32
      %convert_element_type3A_255 = arith.extui %eq3A_254 : i1 to i32
      %cond3A_256 = arith.constant 0 : i32
      %cond3A_257 = arith.cmpi ne, %convert_element_type3A_255, %cond3A_256 : i32
      scf.if %cond3A_257 {
        %mul3A_346 = arith.constant 80 : i32
        %mul3A_347 = arith.muli %mul3A_175, %mul3A_346 : i32
        %add3A_348 = arith.addi %mul3A_2, %mul3A_347 : i32
        %dma_start3A_349 = arith.constant 0 : i32
        %dma_start3A_350 = arith.constant 64 : i32
        %dma_start3A_351 = tpu.memref_slice %arg18[%dma_start3A_349, %dma_start3A_350] : memref<80x80xf32, #tpu.memory_space<vmem>> -> memref<80x16xf32, #tpu.memory_space<vmem>>
        %dma_start3A_352 = arith.constant 0 : i32
        %dma_start3A_353 = tpu.memref_slice %arg8[%add3A_348, %dma_start3A_352] : memref<320000x16xf32, #tpu.memory_space<hbm>> -> memref<80x16xf32, #tpu.memory_space<hbm>>
        %dma_start3A_354 = arith.constant 0 : i32
        %dma_start3A_355 = tpu.memref_slice %arg8[%add3A_348, %dma_start3A_354] : memref<320000x16xf32, #tpu.memory_space<hbm>> -> memref<80x16xf32, #tpu.memory_space<hbm>>
        %dma_start3A_356 = arith.constant 0 : i32
        %dma_start3A_357 = arith.constant 64 : i32
        %dma_start3A_358 = tpu.memref_slice %arg18[%dma_start3A_356, %dma_start3A_357] : memref<80x80xf32, #tpu.memory_space<vmem>> -> memref<80x16xf32, #tpu.memory_space<vmem>>
        tpu.enqueue_dma source(%dma_start3A_358 : memref<80x16xf32, #tpu.memory_space<vmem>>) target(%dma_start3A_355 : memref<80x16xf32, #tpu.memory_space<hbm>>) target_semaphore(%arg29 : memref<!tpu.dma_semaphore, #tpu.memory_space<semaphore_mem>>)
      } else {
      }
      %mul3A_258 = arith.constant 2 : i32
      %mul3A_259 = arith.muli %mul3A_258, %scan3A_172 : i32
      %add3A_260 = arith.constant 1 : i32
      %add3A_261 = arith.addi %mul3A_259, %add3A_260 : i32
      %dma_wait3A_262 = arith.constant 0 : i32
      %dma_wait3A_263 = arith.constant 0 : i32
      %dma_wait3A_264 = tpu.memref_slice %arg10[%dma_wait3A_262, %dma_wait3A_263] : memref<250x80xi32, #tpu.memory_space<vmem>> -> memref<1x80xi32, #tpu.memory_space<vmem>>
      %dma_wait3A_265 = tpu.memref_squeeze %dma_wait3A_264 : memref<1x80xi32, #tpu.memory_space<vmem>> -> memref<80xi32, #tpu.memory_space<vmem>>
      %dma_wait3A_266 = arith.constant 0 : i32
      %dma_wait3A_267 = arith.constant 0 : i32
      %dma_wait3A_268 = tpu.memref_slice %arg2[%dma_wait3A_266, %dma_wait3A_267] : memref<20000x80xf32, #tpu.memory_space<hbm>> -> memref<20000x80xf32, #tpu.memory_space<hbm>>
      tpu.wait_indirect_dma semaphore(%arg22 : memref<!tpu.dma_semaphore, #tpu.memory_space<semaphore_mem>>) src(%dma_wait3A_268 : memref<20000x80xf32, #tpu.memory_space<hbm>>) dst(%arg15 : memref<80x80xf32, #tpu.memory_space<vmem>>)
      %dma_wait3A_269 = arith.constant 0 : i32
      %dma_wait3A_270 = arith.constant 0 : i32
      %dma_wait3A_271 = tpu.memref_slice %arg11[%dma_wait3A_269, %dma_wait3A_270] : memref<250x80xi32, #tpu.memory_space<vmem>> -> memref<1x80xi32, #tpu.memory_space<vmem>>
      %dma_wait3A_272 = tpu.memref_squeeze %dma_wait3A_271 : memref<1x80xi32, #tpu.memory_space<vmem>> -> memref<80xi32, #tpu.memory_space<vmem>>
      %dma_wait3A_273 = arith.constant 0 : i32
      %dma_wait3A_274 = arith.constant 0 : i32
      %dma_wait3A_275 = tpu.memref_slice %arg3[%dma_wait3A_273, %dma_wait3A_274] : memref<20000x80xf32, #tpu.memory_space<hbm>> -> memref<20000x80xf32, #tpu.memory_space<hbm>>
      tpu.wait_indirect_dma semaphore(%arg22 : memref<!tpu.dma_semaphore, #tpu.memory_space<semaphore_mem>>) src(%dma_wait3A_275 : memref<20000x80xf32, #tpu.memory_space<hbm>>) dst(%arg17 : memref<80x80xf32, #tpu.memory_space<vmem>>)
      %dma_wait3A_276 = arith.constant 0 : i32
      %dma_wait3A_277 = arith.constant 0 : i32
      %dma_wait3A_278 = tpu.memref_slice %arg4[%arg0, %dma_wait3A_276, %dma_wait3A_277] : memref<2x320000x80xf32, #tpu.memory_space<hbm>> -> memref<1x80x80xf32, #tpu.memory_space<hbm>>
      %dma_wait3A_279 = tpu.memref_squeeze %dma_wait3A_278 : memref<1x80x80xf32, #tpu.memory_space<hbm>> -> memref<80x80xf32, #tpu.memory_space<hbm>>
      %dma_wait3A_280 = arith.constant 0 : i32
      %dma_wait3A_281 = arith.constant 0 : i32
      %dma_wait3A_282 = tpu.memref_slice %arg4[%arg0, %dma_wait3A_280, %dma_wait3A_281] : memref<2x320000x80xf32, #tpu.memory_space<hbm>> -> memref<1x80x80xf32, #tpu.memory_space<hbm>>
      %dma_wait3A_283 = tpu.memref_squeeze %dma_wait3A_282 : memref<1x80x80xf32, #tpu.memory_space<hbm>> -> memref<80x80xf32, #tpu.memory_space<hbm>>
      tpu.wait_dma2 semaphore(%arg24 : memref<!tpu.dma_semaphore, #tpu.memory_space<semaphore_mem>>) src(%dma_wait3A_283 : memref<80x80xf32, #tpu.memory_space<hbm>>) dst(%arg19 : memref<80x80xf32, #tpu.memory_space<vmem>>)
      %dma_wait3A_284 = arith.constant 0 : i32
      %dma_wait3A_285 = arith.constant 0 : i32
      %dma_wait3A_286 = tpu.memref_slice %arg20[%dma_wait3A_284, %dma_wait3A_285] : memref<10240x80xf32, #tpu.memory_space<vmem_shared>> -> memref<10240x80xf32, #tpu.memory_space<vmem_shared>>
      tpu.wait_indirect_dma semaphore(%arg27 : memref<!tpu.dma_semaphore, #tpu.memory_space<semaphore_mem>>) src(%arg18 : memref<80x80xf32, #tpu.memory_space<vmem>>) dst(%dma_wait3A_286 : memref<10240x80xf32, #tpu.memory_space<vmem_shared>>)
      %eq3A_287 = arith.constant 0 : i32
      %eq3A_288 = arith.cmpi eq, %arg0, %eq3A_287 : i32
      %convert_element_type3A_289 = arith.extui %eq3A_288 : i1 to i32
      %cond3A_290 = arith.constant 0 : i32
      %cond3A_291 = arith.cmpi ne, %convert_element_type3A_289, %cond3A_290 : i32
      scf.if %cond3A_291 {
        %dma_wait3A_346 = arith.constant 0 : i32
        %dma_wait3A_347 = arith.constant 64 : i32
        %dma_wait3A_348 = tpu.memref_slice %arg18[%dma_wait3A_346, %dma_wait3A_347] : memref<80x80xf32, #tpu.memory_space<vmem>> -> memref<80x16xf32, #tpu.memory_space<vmem>>
        %dma_wait3A_349 = arith.constant 0 : i32
        %dma_wait3A_350 = arith.constant 0 : i32
        %dma_wait3A_351 = tpu.memref_slice %arg8[%dma_wait3A_349, %dma_wait3A_350] : memref<320000x16xf32, #tpu.memory_space<hbm>> -> memref<80x16xf32, #tpu.memory_space<hbm>>
        %dma_wait3A_352 = arith.constant 0 : i32
        %dma_wait3A_353 = arith.constant 0 : i32
        %dma_wait3A_354 = tpu.memref_slice %arg8[%dma_wait3A_352, %dma_wait3A_353] : memref<320000x16xf32, #tpu.memory_space<hbm>> -> memref<80x16xf32, #tpu.memory_space<hbm>>
        %dma_wait3A_355 = arith.constant 0 : i32
        %dma_wait3A_356 = arith.constant 64 : i32
        %dma_wait3A_357 = tpu.memref_slice %arg18[%dma_wait3A_355, %dma_wait3A_356] : memref<80x80xf32, #tpu.memory_space<vmem>> -> memref<80x16xf32, #tpu.memory_space<vmem>>
        tpu.wait_dma2 semaphore(%arg29 : memref<!tpu.dma_semaphore, #tpu.memory_space<semaphore_mem>>) src(%dma_wait3A_357 : memref<80x16xf32, #tpu.memory_space<vmem>>) dst(%dma_wait3A_354 : memref<80x16xf32, #tpu.memory_space<hbm>>)
      } else {
      }
      %add3A_292 = arith.constant 1 : i32
      %add3A_293 = arith.addi %add3A_261, %add3A_292 : i32
      %min3A_294 = arith.constant 249 : i32
      %min3A_295 = arith.minsi %add3A_293, %min3A_294 : i32
      %dma_start3A_296 = arith.constant 0 : i32
      %dma_start3A_297 = tpu.memref_slice %arg7[%arg1, %min3A_295, %dma_start3A_296] : memref<16x250x80xi32, #tpu.memory_space<hbm>> -> memref<1x1x80xi32, #tpu.memory_space<hbm>>
      %dma_start3A_298 = tpu.memref_squeeze %dma_start3A_297 : memref<1x1x80xi32, #tpu.memory_space<hbm>> -> memref<80xi32, #tpu.memory_space<hbm>>
      %dma_start3A_299 = arith.constant 0 : i32
      %dma_start3A_300 = tpu.memref_slice %arg7[%arg1, %min3A_295, %dma_start3A_299] : memref<16x250x80xi32, #tpu.memory_space<hbm>> -> memref<1x1x80xi32, #tpu.memory_space<hbm>>
      %dma_start3A_301 = tpu.memref_squeeze %dma_start3A_300 : memref<1x1x80xi32, #tpu.memory_space<hbm>> -> memref<80xi32, #tpu.memory_space<hbm>>
      tpu.enqueue_dma source(%dma_start3A_301 : memref<80xi32, #tpu.memory_space<hbm>>) target(%arg12 : memref<80xi32, #tpu.memory_space<vmem>>) target_semaphore(%arg25 : memref<!tpu.dma_semaphore, #tpu.memory_space<semaphore_mem>>)
      %dma_start3A_302 = arith.constant 0 : i32
      %dma_start3A_303 = tpu.memref_slice %arg10[%min3A_295, %dma_start3A_302] : memref<250x80xi32, #tpu.memory_space<vmem>> -> memref<1x80xi32, #tpu.memory_space<vmem>>
      %dma_start3A_304 = tpu.memref_squeeze %dma_start3A_303 : memref<1x80xi32, #tpu.memory_space<vmem>> -> memref<80xi32, #tpu.memory_space<vmem>>
      %dma_start3A_305 = arith.constant 0 : i32
      %dma_start3A_306 = arith.constant 0 : i32
      %dma_start3A_307 = tpu.memref_slice %arg2[%dma_start3A_305, %dma_start3A_306] : memref<20000x80xf32, #tpu.memory_space<hbm>> -> memref<20000x80xf32, #tpu.memory_space<hbm>>
      tpu.enqueue_indirect_dma source(%dma_start3A_307 : memref<20000x80xf32, #tpu.memory_space<hbm>>) target(%arg14 : memref<80x80xf32, #tpu.memory_space<vmem>>) offsets(%dma_start3A_304 : memref<80xi32, #tpu.memory_space<vmem>>) semaphore(%arg21 : memref<!tpu.dma_semaphore, #tpu.memory_space<semaphore_mem>>)
      %dma_start3A_308 = arith.constant 0 : i32
      %dma_start3A_309 = tpu.memref_slice %arg11[%min3A_295, %dma_start3A_308] : memref<250x80xi32, #tpu.memory_space<vmem>> -> memref<1x80xi32, #tpu.memory_space<vmem>>
      %dma_start3A_310 = tpu.memref_squeeze %dma_start3A_309 : memref<1x80xi32, #tpu.memory_space<vmem>> -> memref<80xi32, #tpu.memory_space<vmem>>
      %dma_start3A_311 = arith.constant 0 : i32
      %dma_start3A_312 = arith.constant 0 : i32
      %dma_start3A_313 = tpu.memref_slice %arg3[%dma_start3A_311, %dma_start3A_312] : memref<20000x80xf32, #tpu.memory_space<hbm>> -> memref<20000x80xf32, #tpu.memory_space<hbm>>
      tpu.enqueue_indirect_dma source(%dma_start3A_313 : memref<20000x80xf32, #tpu.memory_space<hbm>>) target(%arg16 : memref<80x80xf32, #tpu.memory_space<vmem>>) offsets(%dma_start3A_310 : memref<80xi32, #tpu.memory_space<vmem>>) semaphore(%arg21 : memref<!tpu.dma_semaphore, #tpu.memory_space<semaphore_mem>>)
      %mul3A_314 = arith.constant 80 : i32
      %mul3A_315 = arith.muli %min3A_295, %mul3A_314 : i32
      %add3A_316 = arith.addi %mul3A_2, %mul3A_315 : i32
      %dma_start3A_317 = arith.constant 0 : i32
      %dma_start3A_318 = tpu.memref_slice %arg4[%arg0, %add3A_316, %dma_start3A_317] : memref<2x320000x80xf32, #tpu.memory_space<hbm>> -> memref<1x80x80xf32, #tpu.memory_space<hbm>>
      %dma_start3A_319 = tpu.memref_squeeze %dma_start3A_318 : memref<1x80x80xf32, #tpu.memory_space<hbm>> -> memref<80x80xf32, #tpu.memory_space<hbm>>
      %dma_start3A_320 = arith.constant 0 : i32
      %dma_start3A_321 = tpu.memref_slice %arg4[%arg0, %add3A_316, %dma_start3A_320] : memref<2x320000x80xf32, #tpu.memory_space<hbm>> -> memref<1x80x80xf32, #tpu.memory_space<hbm>>
      %dma_start3A_322 = tpu.memref_squeeze %dma_start3A_321 : memref<1x80x80xf32, #tpu.memory_space<hbm>> -> memref<80x80xf32, #tpu.memory_space<hbm>>
      tpu.enqueue_dma source(%dma_start3A_322 : memref<80x80xf32, #tpu.memory_space<hbm>>) target(%arg18 : memref<80x80xf32, #tpu.memory_space<vmem>>) target_semaphore(%arg23 : memref<!tpu.dma_semaphore, #tpu.memory_space<semaphore_mem>>)
      %scan3A_323 = arith.constant 0 : i32
      %scan3A_324 = arith.constant 0 : i32
      %scan3A_325 = arith.constant 80 : i32
      %scan3A_326 = arith.addi %scan3A_324, %scan3A_325 : i32
      %scan3A_327 = arith.constant 1 : i32
      %scan3A_328 = scf.for %scan3A_346 = %scan3A_324 to %scan3A_326 step %scan3A_327 iter_args(%scan3A_347 = %scan3A_323) -> (i32)  : i32 {
        %get3A = arith.index_cast %scan3A_346 : i32 to index
        %get3A_348 = arith.constant 0 : index
        %get3A_349 = tpu.vector_load %arg19[%get3A, %get3A_348] {strides = array<i32>} : memref<80x80xf32, #tpu.memory_space<vmem>>, vector<1x16xf32>,
        %get3A_350 = vector.shape_cast %get3A_349 : vector<1x16xf32> to vector<16xf32>
        %get3A_351 = arith.index_cast %scan3A_346 : i32 to index
        %get3A_352 = arith.constant 0 : index
        %get3A_353 = tpu.vector_load %arg15[%get3A_351, %get3A_352] {strides = array<i32>} : memref<80x80xf32, #tpu.memory_space<vmem>>, vector<1x16xf32>,
        %get3A_354 = vector.shape_cast %get3A_353 : vector<1x16xf32> to vector<16xf32>
        %add3A_355 = arith.addf %get3A_350, %get3A_354 : vector<16xf32>
        %get3A_356 = arith.index_cast %scan3A_346 : i32 to index
        %get3A_357 = arith.constant 0 : index
        %get3A_358 = tpu.vector_load %arg17[%get3A_356, %get3A_357] {strides = array<i32>} : memref<80x80xf32, #tpu.memory_space<vmem>>, vector<1x16xf32>,
        %get3A_359 = vector.shape_cast %get3A_358 : vector<1x16xf32> to vector<16xf32>
        %add3A_360 = arith.addf %add3A_355, %get3A_359 : vector<16xf32>
        %mul3A_361 = arith.constant 0.00999999977 : f32
        %mul3A_362 = vector.broadcast %mul3A_361 : f32 to vector<16xf32>
        %mul3A_363 = arith.mulf %mul3A_362, %add3A_360 : vector<16xf32>
        %max3A = arith.maximumf %add3A_360, %mul3A_363 : vector<16xf32>
        %swap3A = arith.index_cast %scan3A_346 : i32 to index
        %swap3A_364 = arith.constant 0 : index
        %swap3A_365 = tpu.vector_load %arg19[%swap3A, %swap3A_364] {strides = array<i32>} : memref<80x80xf32, #tpu.memory_space<vmem>>, vector<1x16xf32>,
        %swap3A_366 = vector.shape_cast %swap3A_365 : vector<1x16xf32> to vector<16xf32>
        %swap3A_367 = vector.shape_cast %max3A : vector<16xf32> to vector<1x16xf32>
        tpu.vector_store %arg19[%swap3A, %swap3A_364], %swap3A_367 {strides = array<i32>} : memref<80x80xf32, #tpu.memory_space<vmem>>, vector<1x16xf32>,
        %get3A_368 = arith.index_cast %scan3A_346 : i32 to index
        %get3A_369 = arith.constant 16 : index
        %get3A_370 = tpu.vector_load %arg19[%get3A_368, %get3A_369] {strides = array<i32>} : memref<80x80xf32, #tpu.memory_space<vmem>>, vector<1x16xf32>,
        %get3A_371 = vector.shape_cast %get3A_370 : vector<1x16xf32> to vector<16xf32>
        %get3A_372 = arith.index_cast %scan3A_346 : i32 to index
        %get3A_373 = arith.constant 16 : index
        %get3A_374 = tpu.vector_load %arg15[%get3A_372, %get3A_373] {strides = array<i32>} : memref<80x80xf32, #tpu.memory_space<vmem>>, vector<1x16xf32>,
        %get3A_375 = vector.shape_cast %get3A_374 : vector<1x16xf32> to vector<16xf32>
        %add3A_376 = arith.addf %get3A_371, %get3A_375 : vector<16xf32>
        %get3A_377 = arith.index_cast %scan3A_346 : i32 to index
        %get3A_378 = arith.constant 16 : index
        %get3A_379 = tpu.vector_load %arg17[%get3A_377, %get3A_378] {strides = array<i32>} : memref<80x80xf32, #tpu.memory_space<vmem>>, vector<1x16xf32>,
        %get3A_380 = vector.shape_cast %get3A_379 : vector<1x16xf32> to vector<16xf32>
        %add3A_381 = arith.addf %add3A_376, %get3A_380 : vector<16xf32>
        %mul3A_382 = arith.constant 0.00999999977 : f32
        %mul3A_383 = vector.broadcast %mul3A_382 : f32 to vector<16xf32>
        %mul3A_384 = arith.mulf %mul3A_383, %add3A_381 : vector<16xf32>
        %max3A_385 = arith.maximumf %add3A_381, %mul3A_384 : vector<16xf32>
        %swap3A_386 = arith.index_cast %scan3A_346 : i32 to index
        %swap3A_387 = arith.constant 16 : index
        %swap3A_388 = tpu.vector_load %arg19[%swap3A_386, %swap3A_387] {strides = array<i32>} : memref<80x80xf32, #tpu.memory_space<vmem>>, vector<1x16xf32>,
        %swap3A_389 = vector.shape_cast %swap3A_388 : vector<1x16xf32> to vector<16xf32>
        %swap3A_390 = vector.shape_cast %max3A_385 : vector<16xf32> to vector<1x16xf32>
        tpu.vector_store %arg19[%swap3A_386, %swap3A_387], %swap3A_390 {strides = array<i32>} : memref<80x80xf32, #tpu.memory_space<vmem>>, vector<1x16xf32>,
        %get3A_391 = arith.index_cast %scan3A_346 : i32 to index
        %get3A_392 = arith.constant 32 : index
        %get3A_393 = tpu.vector_load %arg19[%get3A_391, %get3A_392] {strides = array<i32>} : memref<80x80xf32, #tpu.memory_space<vmem>>, vector<1x16xf32>,
        %get3A_394 = vector.shape_cast %get3A_393 : vector<1x16xf32> to vector<16xf32>
        %get3A_395 = arith.index_cast %scan3A_346 : i32 to index
        %get3A_396 = arith.constant 32 : index
        %get3A_397 = tpu.vector_load %arg15[%get3A_395, %get3A_396] {strides = array<i32>} : memref<80x80xf32, #tpu.memory_space<vmem>>, vector<1x16xf32>,
        %get3A_398 = vector.shape_cast %get3A_397 : vector<1x16xf32> to vector<16xf32>
        %add3A_399 = arith.addf %get3A_394, %get3A_398 : vector<16xf32>
        %get3A_400 = arith.index_cast %scan3A_346 : i32 to index
        %get3A_401 = arith.constant 32 : index
        %get3A_402 = tpu.vector_load %arg17[%get3A_400, %get3A_401] {strides = array<i32>} : memref<80x80xf32, #tpu.memory_space<vmem>>, vector<1x16xf32>,
        %get3A_403 = vector.shape_cast %get3A_402 : vector<1x16xf32> to vector<16xf32>
        %add3A_404 = arith.addf %add3A_399, %get3A_403 : vector<16xf32>
        %mul3A_405 = arith.constant 0.00999999977 : f32
        %mul3A_406 = vector.broadcast %mul3A_405 : f32 to vector<16xf32>
        %mul3A_407 = arith.mulf %mul3A_406, %add3A_404 : vector<16xf32>
        %max3A_408 = arith.maximumf %add3A_404, %mul3A_407 : vector<16xf32>
        %swap3A_409 = arith.index_cast %scan3A_346 : i32 to index
        %swap3A_410 = arith.constant 32 : index
        %swap3A_411 = tpu.vector_load %arg19[%swap3A_409, %swap3A_410] {strides = array<i32>} : memref<80x80xf32, #tpu.memory_space<vmem>>, vector<1x16xf32>,
        %swap3A_412 = vector.shape_cast %swap3A_411 : vector<1x16xf32> to vector<16xf32>
        %swap3A_413 = vector.shape_cast %max3A_408 : vector<16xf32> to vector<1x16xf32>
        tpu.vector_store %arg19[%swap3A_409, %swap3A_410], %swap3A_413 {strides = array<i32>} : memref<80x80xf32, #tpu.memory_space<vmem>>, vector<1x16xf32>,
        %get3A_414 = arith.index_cast %scan3A_346 : i32 to index
        %get3A_415 = arith.constant 48 : index
        %get3A_416 = tpu.vector_load %arg19[%get3A_414, %get3A_415] {strides = array<i32>} : memref<80x80xf32, #tpu.memory_space<vmem>>, vector<1x16xf32>,
        %get3A_417 = vector.shape_cast %get3A_416 : vector<1x16xf32> to vector<16xf32>
        %get3A_418 = arith.index_cast %scan3A_346 : i32 to index
        %get3A_419 = arith.constant 48 : index
        %get3A_420 = tpu.vector_load %arg15[%get3A_418, %get3A_419] {strides = array<i32>} : memref<80x80xf32, #tpu.memory_space<vmem>>, vector<1x16xf32>,
        %get3A_421 = vector.shape_cast %get3A_420 : vector<1x16xf32> to vector<16xf32>
        %add3A_422 = arith.addf %get3A_417, %get3A_421 : vector<16xf32>
        %get3A_423 = arith.index_cast %scan3A_346 : i32 to index
        %get3A_424 = arith.constant 48 : index
        %get3A_425 = tpu.vector_load %arg17[%get3A_423, %get3A_424] {strides = array<i32>} : memref<80x80xf32, #tpu.memory_space<vmem>>, vector<1x16xf32>,
        %get3A_426 = vector.shape_cast %get3A_425 : vector<1x16xf32> to vector<16xf32>
        %add3A_427 = arith.addf %add3A_422, %get3A_426 : vector<16xf32>
        %mul3A_428 = arith.constant 0.00999999977 : f32
        %mul3A_429 = vector.broadcast %mul3A_428 : f32 to vector<16xf32>
        %mul3A_430 = arith.mulf %mul3A_429, %add3A_427 : vector<16xf32>
        %max3A_431 = arith.maximumf %add3A_427, %mul3A_430 : vector<16xf32>
        %swap3A_432 = arith.index_cast %scan3A_346 : i32 to index
        %swap3A_433 = arith.constant 48 : index
        %swap3A_434 = tpu.vector_load %arg19[%swap3A_432, %swap3A_433] {strides = array<i32>} : memref<80x80xf32, #tpu.memory_space<vmem>>, vector<1x16xf32>,
        %swap3A_435 = vector.shape_cast %swap3A_434 : vector<1x16xf32> to vector<16xf32>
        %swap3A_436 = vector.shape_cast %max3A_431 : vector<16xf32> to vector<1x16xf32>
        tpu.vector_store %arg19[%swap3A_432, %swap3A_433], %swap3A_436 {strides = array<i32>} : memref<80x80xf32, #tpu.memory_space<vmem>>, vector<1x16xf32>,
        %get3A_437 = arith.index_cast %scan3A_346 : i32 to index
        %get3A_438 = arith.constant 64 : index
        %get3A_439 = tpu.vector_load %arg19[%get3A_437, %get3A_438] {strides = array<i32>} : memref<80x80xf32, #tpu.memory_space<vmem>>, vector<1x16xf32>,
        %get3A_440 = vector.shape_cast %get3A_439 : vector<1x16xf32> to vector<16xf32>
        %get3A_441 = arith.index_cast %scan3A_346 : i32 to index
        %get3A_442 = arith.constant 64 : index
        %get3A_443 = tpu.vector_load %arg15[%get3A_441, %get3A_442] {strides = array<i32>} : memref<80x80xf32, #tpu.memory_space<vmem>>, vector<1x16xf32>,
        %get3A_444 = vector.shape_cast %get3A_443 : vector<1x16xf32> to vector<16xf32>
        %add3A_445 = arith.addf %get3A_440, %get3A_444 : vector<16xf32>
        %get3A_446 = arith.index_cast %scan3A_346 : i32 to index
        %get3A_447 = arith.constant 64 : index
        %get3A_448 = tpu.vector_load %arg17[%get3A_446, %get3A_447] {strides = array<i32>} : memref<80x80xf32, #tpu.memory_space<vmem>>, vector<1x16xf32>,
        %get3A_449 = vector.shape_cast %get3A_448 : vector<1x16xf32> to vector<16xf32>
        %add3A_450 = arith.addf %add3A_445, %get3A_449 : vector<16xf32>
        %mul3A_451 = arith.constant 0.00999999977 : f32
        %mul3A_452 = vector.broadcast %mul3A_451 : f32 to vector<16xf32>
        %mul3A_453 = arith.mulf %mul3A_452, %add3A_450 : vector<16xf32>
        %max3A_454 = arith.maximumf %add3A_450, %mul3A_453 : vector<16xf32>
        %swap3A_455 = arith.index_cast %scan3A_346 : i32 to index
        %swap3A_456 = arith.constant 64 : index
        %swap3A_457 = tpu.vector_load %arg19[%swap3A_455, %swap3A_456] {strides = array<i32>} : memref<80x80xf32, #tpu.memory_space<vmem>>, vector<1x16xf32>,
        %swap3A_458 = vector.shape_cast %swap3A_457 : vector<1x16xf32> to vector<16xf32>
        %swap3A_459 = vector.shape_cast %max3A_454 : vector<16xf32> to vector<1x16xf32>
        tpu.vector_store %arg19[%swap3A_455, %swap3A_456], %swap3A_459 {strides = array<i32>} : memref<80x80xf32, #tpu.memory_space<vmem>>, vector<1x16xf32>,
        %scan3A_460 = arith.constant 0 : i32
        scf.yield %scan3A_460 : i32
      }
      %scan3A_329 = arith.constant 80 : i32
      %dma_wait3A_330 = arith.constant 0 : i32
      %dma_wait3A_331 = arith.constant 0 : i32
      %dma_wait3A_332 = tpu.memref_slice %arg7[%arg1, %dma_wait3A_330, %dma_wait3A_331] : memref<16x250x80xi32, #tpu.memory_space<hbm>> -> memref<1x1x80xi32, #tpu.memory_space<hbm>>
      %dma_wait3A_333 = tpu.memref_squeeze %dma_wait3A_332 : memref<1x1x80xi32, #tpu.memory_space<hbm>> -> memref<80xi32, #tpu.memory_space<hbm>>
      %dma_wait3A_334 = arith.constant 0 : i32
      %dma_wait3A_335 = tpu.memref_slice %arg7[%arg1, %dma_wait3A_330, %dma_wait3A_334] : memref<16x250x80xi32, #tpu.memory_space<hbm>> -> memref<1x1x80xi32, #tpu.memory_space<hbm>>
      %dma_wait3A_336 = tpu.memref_squeeze %dma_wait3A_335 : memref<1x1x80xi32, #tpu.memory_space<hbm>> -> memref<80xi32, #tpu.memory_space<hbm>>
      tpu.wait_dma2 semaphore(%arg26 : memref<!tpu.dma_semaphore, #tpu.memory_space<semaphore_mem>>) src(%dma_wait3A_336 : memref<80xi32, #tpu.memory_space<hbm>>) dst(%arg13 : memref<80xi32, #tpu.memory_space<vmem>>)
      %dma_start3A_337 = arith.constant 0 : i32
      %dma_start3A_338 = arith.constant 0 : i32
      %dma_start3A_339 = tpu.memref_slice %arg20[%dma_start3A_337, %dma_start3A_338] : memref<10240x80xf32, #tpu.memory_space<vmem_shared>> -> memref<10240x80xf32, #tpu.memory_space<vmem_shared>>
      tpu.enqueue_indirect_dma source(%arg19 : memref<80x80xf32, #tpu.memory_space<vmem>>) target(%dma_start3A_339 : memref<10240x80xf32, #tpu.memory_space<vmem_shared>>) offsets(%arg13 : memref<80xi32, #tpu.memory_space<vmem>>) semaphore(%arg28 : memref<!tpu.dma_semaphore, #tpu.memory_space<semaphore_mem>>) {add = true}
      %eq3A_340 = arith.constant 0 : i32
      %eq3A_341 = arith.cmpi eq, %arg0, %eq3A_340 : i32
      %convert_element_type3A_342 = arith.extui %eq3A_341 : i1 to i32
      %cond3A_343 = arith.constant 0 : i32
      %cond3A_344 = arith.cmpi ne, %convert_element_type3A_342, %cond3A_343 : i32
      scf.if %cond3A_344 {
        %mul3A_346 = arith.constant 80 : i32
        %mul3A_347 = arith.muli %add3A_261, %mul3A_346 : i32
        %add3A_348 = arith.addi %mul3A_2, %mul3A_347 : i32
        %dma_start3A_349 = arith.constant 0 : i32
        %dma_start3A_350 = arith.constant 64 : i32
        %dma_start3A_351 = tpu.memref_slice %arg19[%dma_start3A_349, %dma_start3A_350] : memref<80x80xf32, #tpu.memory_space<vmem>> -> memref<80x16xf32, #tpu.memory_space<vmem>>
        %dma_start3A_352 = arith.constant 0 : i32
        %dma_start3A_353 = tpu.memref_slice %arg8[%add3A_348, %dma_start3A_352] : memref<320000x16xf32, #tpu.memory_space<hbm>> -> memref<80x16xf32, #tpu.memory_space<hbm>>
        %dma_start3A_354 = arith.constant 0 : i32
        %dma_start3A_355 = tpu.memref_slice %arg8[%add3A_348, %dma_start3A_354] : memref<320000x16xf32, #tpu.memory_space<hbm>> -> memref<80x16xf32, #tpu.memory_space<hbm>>
        %dma_start3A_356 = arith.constant 0 : i32
        %dma_start3A_357 = arith.constant 64 : i32
        %dma_start3A_358 = tpu.memref_slice %arg19[%dma_start3A_356, %dma_start3A_357] : memref<80x80xf32, #tpu.memory_space<vmem>> -> memref<80x16xf32, #tpu.memory_space<vmem>>
        tpu.enqueue_dma source(%dma_start3A_358 : memref<80x16xf32, #tpu.memory_space<vmem>>) target(%dma_start3A_355 : memref<80x16xf32, #tpu.memory_space<hbm>>) target_semaphore(%arg30 : memref<!tpu.dma_semaphore, #tpu.memory_space<semaphore_mem>>)
      } else {
      }
      %scan3A_345 = arith.constant 0 : i32
      scf.yield %scan3A_345 : i32
    }
    %scan3A_63 = arith.constant 125 : i32
    %dma_wait3A = arith.constant 0 : i32
    %dma_wait3A_64 = arith.constant 0 : i32
    %dma_wait3A_65 = tpu.memref_slice %arg20[%dma_wait3A, %dma_wait3A_64] : memref<10240x80xf32, #tpu.memory_space<vmem_shared>> -> memref<10240x80xf32, #tpu.memory_space<vmem_shared>>
    tpu.wait_indirect_dma semaphore(%arg28 : memref<!tpu.dma_semaphore, #tpu.memory_space<semaphore_mem>>) src(%arg19 : memref<80x80xf32, #tpu.memory_space<vmem>>) dst(%dma_wait3A_65 : memref<10240x80xf32, #tpu.memory_space<vmem_shared>>)
    %eq3A_66 = arith.constant 0 : i32
    %eq3A_67 = arith.cmpi eq, %arg0, %eq3A_66 : i32
    %convert_element_type3A_68 = arith.extui %eq3A_67 : i1 to i32
    %cond3A_69 = arith.constant 0 : i32
    %cond3A_70 = arith.cmpi ne, %convert_element_type3A_68, %cond3A_69 : i32
    scf.if %cond3A_70 {
      %dma_wait3A_172 = arith.constant 0 : i32
      %dma_wait3A_173 = arith.constant 64 : i32
      %dma_wait3A_174 = tpu.memref_slice %arg19[%dma_wait3A_172, %dma_wait3A_173] : memref<80x80xf32, #tpu.memory_space<vmem>> -> memref<80x16xf32, #tpu.memory_space<vmem>>
      %dma_wait3A_175 = arith.constant 0 : i32
      %dma_wait3A_176 = arith.constant 0 : i32
      %dma_wait3A_177 = tpu.memref_slice %arg8[%dma_wait3A_175, %dma_wait3A_176] : memref<320000x16xf32, #tpu.memory_space<hbm>> -> memref<80x16xf32, #tpu.memory_space<hbm>>
      %dma_wait3A_178 = arith.constant 0 : i32
      %dma_wait3A_179 = arith.constant 0 : i32
      %dma_wait3A_180 = tpu.memref_slice %arg8[%dma_wait3A_178, %dma_wait3A_179] : memref<320000x16xf32, #tpu.memory_space<hbm>> -> memref<80x16xf32, #tpu.memory_space<hbm>>
      %dma_wait3A_181 = arith.constant 0 : i32
      %dma_wait3A_182 = arith.constant 64 : i32
      %dma_wait3A_183 = tpu.memref_slice %arg19[%dma_wait3A_181, %dma_wait3A_182] : memref<80x80xf32, #tpu.memory_space<vmem>> -> memref<80x16xf32, #tpu.memory_space<vmem>>
      tpu.wait_dma2 semaphore(%arg30 : memref<!tpu.dma_semaphore, #tpu.memory_space<semaphore_mem>>) src(%dma_wait3A_183 : memref<80x16xf32, #tpu.memory_space<vmem>>) dst(%dma_wait3A_180 : memref<80x16xf32, #tpu.memory_space<hbm>>)
    } else {
    }
    %dma_wait3A_71 = arith.constant 0 : i32
    %dma_wait3A_72 = arith.constant 0 : i32
    %dma_wait3A_73 = tpu.memref_slice %arg10[%dma_wait3A_71, %dma_wait3A_72] : memref<250x80xi32, #tpu.memory_space<vmem>> -> memref<1x80xi32, #tpu.memory_space<vmem>>
    %dma_wait3A_74 = tpu.memref_squeeze %dma_wait3A_73 : memref<1x80xi32, #tpu.memory_space<vmem>> -> memref<80xi32, #tpu.memory_space<vmem>>
    %dma_wait3A_75 = arith.constant 0 : i32
    %dma_wait3A_76 = arith.constant 0 : i32
    %dma_wait3A_77 = tpu.memref_slice %arg2[%dma_wait3A_75, %dma_wait3A_76] : memref<20000x80xf32, #tpu.memory_space<hbm>> -> memref<20000x80xf32, #tpu.memory_space<hbm>>
    tpu.wait_indirect_dma semaphore(%arg21 : memref<!tpu.dma_semaphore, #tpu.memory_space<semaphore_mem>>) src(%dma_wait3A_77 : memref<20000x80xf32, #tpu.memory_space<hbm>>) dst(%arg14 : memref<80x80xf32, #tpu.memory_space<vmem>>)
    %dma_wait3A_78 = arith.constant 0 : i32
    %dma_wait3A_79 = arith.constant 0 : i32
    %dma_wait3A_80 = tpu.memref_slice %arg11[%dma_wait3A_78, %dma_wait3A_79] : memref<250x80xi32, #tpu.memory_space<vmem>> -> memref<1x80xi32, #tpu.memory_space<vmem>>
    %dma_wait3A_81 = tpu.memref_squeeze %dma_wait3A_80 : memref<1x80xi32, #tpu.memory_space<vmem>> -> memref<80xi32, #tpu.memory_space<vmem>>
    %dma_wait3A_82 = arith.constant 0 : i32
    %dma_wait3A_83 = arith.constant 0 : i32
    %dma_wait3A_84 = tpu.memref_slice %arg3[%dma_wait3A_82, %dma_wait3A_83] : memref<20000x80xf32, #tpu.memory_space<hbm>> -> memref<20000x80xf32, #tpu.memory_space<hbm>>
    tpu.wait_indirect_dma semaphore(%arg21 : memref<!tpu.dma_semaphore, #tpu.memory_space<semaphore_mem>>) src(%dma_wait3A_84 : memref<20000x80xf32, #tpu.memory_space<hbm>>) dst(%arg16 : memref<80x80xf32, #tpu.memory_space<vmem>>)
    %dma_wait3A_85 = arith.constant 0 : i32
    %dma_wait3A_86 = arith.constant 0 : i32
    %dma_wait3A_87 = tpu.memref_slice %arg4[%arg0, %dma_wait3A_85, %dma_wait3A_86] : memref<2x320000x80xf32, #tpu.memory_space<hbm>> -> memref<1x80x80xf32, #tpu.memory_space<hbm>>
    %dma_wait3A_88 = tpu.memref_squeeze %dma_wait3A_87 : memref<1x80x80xf32, #tpu.memory_space<hbm>> -> memref<80x80xf32, #tpu.memory_space<hbm>>
    %dma_wait3A_89 = arith.constant 0 : i32
    %dma_wait3A_90 = arith.constant 0 : i32
    %dma_wait3A_91 = tpu.memref_slice %arg4[%arg0, %dma_wait3A_89, %dma_wait3A_90] : memref<2x320000x80xf32, #tpu.memory_space<hbm>> -> memref<1x80x80xf32, #tpu.memory_space<hbm>>
    %dma_wait3A_92 = tpu.memref_squeeze %dma_wait3A_91 : memref<1x80x80xf32, #tpu.memory_space<hbm>> -> memref<80x80xf32, #tpu.memory_space<hbm>>
    tpu.wait_dma2 semaphore(%arg23 : memref<!tpu.dma_semaphore, #tpu.memory_space<semaphore_mem>>) src(%dma_wait3A_92 : memref<80x80xf32, #tpu.memory_space<hbm>>) dst(%arg18 : memref<80x80xf32, #tpu.memory_space<vmem>>)
    %dma_wait3A_93 = arith.constant 0 : i32
    %dma_wait3A_94 = arith.constant 0 : i32
    %dma_wait3A_95 = tpu.memref_slice %arg7[%arg1, %dma_wait3A_93, %dma_wait3A_94] : memref<16x250x80xi32, #tpu.memory_space<hbm>> -> memref<1x1x80xi32, #tpu.memory_space<hbm>>
    %dma_wait3A_96 = tpu.memref_squeeze %dma_wait3A_95 : memref<1x1x80xi32, #tpu.memory_space<hbm>> -> memref<80xi32, #tpu.memory_space<hbm>>
    %dma_wait3A_97 = arith.constant 0 : i32
    %dma_wait3A_98 = tpu.memref_slice %arg7[%arg1, %dma_wait3A_93, %dma_wait3A_97] : memref<16x250x80xi32, #tpu.memory_space<hbm>> -> memref<1x1x80xi32, #tpu.memory_space<hbm>>
    %dma_wait3A_99 = tpu.memref_squeeze %dma_wait3A_98 : memref<1x1x80xi32, #tpu.memory_space<hbm>> -> memref<80xi32, #tpu.memory_space<hbm>>
    tpu.wait_dma2 semaphore(%arg25 : memref<!tpu.dma_semaphore, #tpu.memory_space<semaphore_mem>>) src(%dma_wait3A_99 : memref<80xi32, #tpu.memory_space<hbm>>) dst(%arg12 : memref<80xi32, #tpu.memory_space<vmem>>)
    %barrier3A_100 = arith.constant 0 : index
    tpu.barrier barrier_id(%barrier3A_100)
    %add3A_101 = arith.constant 0 : i32
    %add3A_102 = arith.addi %mul3A_0, %add3A_101 : i32
    %add3A_103 = arith.constant 80 : i32
    %add3A_104 = arith.addi %add3A_102, %add3A_103 : i32
    %le3A = arith.constant 10000 : i32
    %le3A_105 = arith.cmpi sle, %add3A_104, %le3A : i32
    %convert_element_type3A_106 = arith.extui %le3A_105 : i1 to i32
    %cond3A_107 = arith.constant 0 : i32
    %cond3A_108 = arith.cmpi ne, %convert_element_type3A_106, %cond3A_107 : i32
    scf.if %cond3A_108 {
      "tpu.region"() ({
        %run_scoped3A_172 = tpu.sem_alloc : memref<!tpu.dma_semaphore, #tpu.memory_space<semaphore_mem>>
        %dma_start3A_173 = arith.constant 0 : i32
        %dma_start3A_174 = tpu.memref_slice %arg9[%arg0, %add3A_102, %dma_start3A_173] : memref<2x10000x64xf32, #tpu.memory_space<hbm>> -> memref<1x80x64xf32, #tpu.memory_space<hbm>>
        %dma_start3A_175 = tpu.memref_squeeze %dma_start3A_174 : memref<1x80x64xf32, #tpu.memory_space<hbm>> -> memref<80x64xf32, #tpu.memory_space<hbm>>
        %dma_start3A_176 = arith.constant 0 : i32
        %dma_start3A_177 = tpu.memref_slice %arg20[%add3A_102, %dma_start3A_176] : memref<10240x80xf32, #tpu.memory_space<vmem_shared>> -> memref<80x64xf32, #tpu.memory_space<vmem_shared>>
        tpu.enqueue_dma source(%dma_start3A_177 : memref<80x64xf32, #tpu.memory_space<vmem_shared>>) target(%dma_start3A_175 : memref<80x64xf32, #tpu.memory_space<hbm>>) target_semaphore(%run_scoped3A_172 : memref<!tpu.dma_semaphore, #tpu.memory_space<semaphore_mem>>)
        %dma_wait3A_178 = arith.constant 0 : i32
        %dma_wait3A_179 = tpu.memref_slice %arg9[%arg0, %add3A_102, %dma_wait3A_178] : memref<2x10000x64xf32, #tpu.memory_space<hbm>> -> memref<1x80x64xf32, #tpu.memory_space<hbm>>
        %dma_wait3A_180 = tpu.memref_squeeze %dma_wait3A_179 : memref<1x80x64xf32, #tpu.memory_space<hbm>> -> memref<80x64xf32, #tpu.memory_space<hbm>>
        %dma_wait3A_181 = arith.constant 0 : i32
        %dma_wait3A_182 = tpu.memref_slice %arg20[%add3A_102, %dma_wait3A_181] : memref<10240x80xf32, #tpu.memory_space<vmem_shared>> -> memref<80x64xf32, #tpu.memory_space<vmem_shared>>
        tpu.wait_dma2 semaphore(%run_scoped3A_172 : memref<!tpu.dma_semaphore, #tpu.memory_space<semaphore_mem>>) src(%dma_wait3A_182 : memref<80x64xf32, #tpu.memory_space<vmem_shared>>) dst(%dma_wait3A_180 : memref<80x64xf32, #tpu.memory_space<hbm>>)
        tpu.yield
      }) : () -> ()
    } else {
    }
    %add3A_109 = arith.constant 80 : i32
    %add3A_110 = arith.addi %mul3A_0, %add3A_109 : i32
    %add3A_111 = arith.constant 80 : i32
    %add3A_112 = arith.addi %add3A_110, %add3A_111 : i32
    %le3A_113 = arith.constant 10000 : i32
    %le3A_114 = arith.cmpi sle, %add3A_112, %le3A_113 : i32
    %convert_element_type3A_115 = arith.extui %le3A_114 : i1 to i32
    %cond3A_116 = arith.constant 0 : i32
    %cond3A_117 = arith.cmpi ne, %convert_element_type3A_115, %cond3A_116 : i32
    scf.if %cond3A_117 {
      "tpu.region"() ({
        %run_scoped3A_172 = tpu.sem_alloc : memref<!tpu.dma_semaphore, #tpu.memory_space<semaphore_mem>>
        %dma_start3A_173 = arith.constant 0 : i32
        %dma_start3A_174 = tpu.memref_slice %arg9[%arg0, %add3A_110, %dma_start3A_173] : memref<2x10000x64xf32, #tpu.memory_space<hbm>> -> memref<1x80x64xf32, #tpu.memory_space<hbm>>
        %dma_start3A_175 = tpu.memref_squeeze %dma_start3A_174 : memref<1x80x64xf32, #tpu.memory_space<hbm>> -> memref<80x64xf32, #tpu.memory_space<hbm>>
        %dma_start3A_176 = arith.constant 0 : i32
        %dma_start3A_177 = tpu.memref_slice %arg20[%add3A_110, %dma_start3A_176] : memref<10240x80xf32, #tpu.memory_space<vmem_shared>> -> memref<80x64xf32, #tpu.memory_space<vmem_shared>>
        tpu.enqueue_dma source(%dma_start3A_177 : memref<80x64xf32, #tpu.memory_space<vmem_shared>>) target(%dma_start3A_175 : memref<80x64xf32, #tpu.memory_space<hbm>>) target_semaphore(%run_scoped3A_172 : memref<!tpu.dma_semaphore, #tpu.memory_space<semaphore_mem>>)
        %dma_wait3A_178 = arith.constant 0 : i32
        %dma_wait3A_179 = tpu.memref_slice %arg9[%arg0, %add3A_110, %dma_wait3A_178] : memref<2x10000x64xf32, #tpu.memory_space<hbm>> -> memref<1x80x64xf32, #tpu.memory_space<hbm>>
        %dma_wait3A_180 = tpu.memref_squeeze %dma_wait3A_179 : memref<1x80x64xf32, #tpu.memory_space<hbm>> -> memref<80x64xf32, #tpu.memory_space<hbm>>
        %dma_wait3A_181 = arith.constant 0 : i32
        %dma_wait3A_182 = tpu.memref_slice %arg20[%add3A_110, %dma_wait3A_181] : memref<10240x80xf32, #tpu.memory_space<vmem_shared>> -> memref<80x64xf32, #tpu.memory_space<vmem_shared>>
        tpu.wait_dma2 semaphore(%run_scoped3A_172 : memref<!tpu.dma_semaphore, #tpu.memory_space<semaphore_mem>>) src(%dma_wait3A_182 : memref<80x64xf32, #tpu.memory_space<vmem_shared>>) dst(%dma_wait3A_180 : memref<80x64xf32, #tpu.memory_space<hbm>>)
        tpu.yield
      }) : () -> ()
    } else {
    }
    %add3A_118 = arith.constant 160 : i32
    %add3A_119 = arith.addi %mul3A_0, %add3A_118 : i32
    %add3A_120 = arith.constant 80 : i32
    %add3A_121 = arith.addi %add3A_119, %add3A_120 : i32
    %le3A_122 = arith.constant 10000 : i32
    %le3A_123 = arith.cmpi sle, %add3A_121, %le3A_122 : i32
    %convert_element_type3A_124 = arith.extui %le3A_123 : i1 to i32
    %cond3A_125 = arith.constant 0 : i32
    %cond3A_126 = arith.cmpi ne, %convert_element_type3A_124, %cond3A_125 : i32
    scf.if %cond3A_126 {
      "tpu.region"() ({
        %run_scoped3A_172 = tpu.sem_alloc : memref<!tpu.dma_semaphore, #tpu.memory_space<semaphore_mem>>
        %dma_start3A_173 = arith.constant 0 : i32
        %dma_start3A_174 = tpu.memref_slice %arg9[%arg0, %add3A_119, %dma_start3A_173] : memref<2x10000x64xf32, #tpu.memory_space<hbm>> -> memref<1x80x64xf32, #tpu.memory_space<hbm>>
        %dma_start3A_175 = tpu.memref_squeeze %dma_start3A_174 : memref<1x80x64xf32, #tpu.memory_space<hbm>> -> memref<80x64xf32, #tpu.memory_space<hbm>>
        %dma_start3A_176 = arith.constant 0 : i32
        %dma_start3A_177 = tpu.memref_slice %arg20[%add3A_119, %dma_start3A_176] : memref<10240x80xf32, #tpu.memory_space<vmem_shared>> -> memref<80x64xf32, #tpu.memory_space<vmem_shared>>
        tpu.enqueue_dma source(%dma_start3A_177 : memref<80x64xf32, #tpu.memory_space<vmem_shared>>) target(%dma_start3A_175 : memref<80x64xf32, #tpu.memory_space<hbm>>) target_semaphore(%run_scoped3A_172 : memref<!tpu.dma_semaphore, #tpu.memory_space<semaphore_mem>>)
        %dma_wait3A_178 = arith.constant 0 : i32
        %dma_wait3A_179 = tpu.memref_slice %arg9[%arg0, %add3A_119, %dma_wait3A_178] : memref<2x10000x64xf32, #tpu.memory_space<hbm>> -> memref<1x80x64xf32, #tpu.memory_space<hbm>>
        %dma_wait3A_180 = tpu.memref_squeeze %dma_wait3A_179 : memref<1x80x64xf32, #tpu.memory_space<hbm>> -> memref<80x64xf32, #tpu.memory_space<hbm>>
        %dma_wait3A_181 = arith.constant 0 : i32
        %dma_wait3A_182 = tpu.memref_slice %arg20[%add3A_119, %dma_wait3A_181] : memref<10240x80xf32, #tpu.memory_space<vmem_shared>> -> memref<80x64xf32, #tpu.memory_space<vmem_shared>>
        tpu.wait_dma2 semaphore(%run_scoped3A_172 : memref<!tpu.dma_semaphore, #tpu.memory_space<semaphore_mem>>) src(%dma_wait3A_182 : memref<80x64xf32, #tpu.memory_space<vmem_shared>>) dst(%dma_wait3A_180 : memref<80x64xf32, #tpu.memory_space<hbm>>)
        tpu.yield
      }) : () -> ()
    } else {
    }
    %add3A_127 = arith.constant 240 : i32
    %add3A_128 = arith.addi %mul3A_0, %add3A_127 : i32
    %add3A_129 = arith.constant 80 : i32
    %add3A_130 = arith.addi %add3A_128, %add3A_129 : i32
    %le3A_131 = arith.constant 10000 : i32
    %le3A_132 = arith.cmpi sle, %add3A_130, %le3A_131 : i32
    %convert_element_type3A_133 = arith.extui %le3A_132 : i1 to i32
    %cond3A_134 = arith.constant 0 : i32
    %cond3A_135 = arith.cmpi ne, %convert_element_type3A_133, %cond3A_134 : i32
    scf.if %cond3A_135 {
      "tpu.region"() ({
        %run_scoped3A_172 = tpu.sem_alloc : memref<!tpu.dma_semaphore, #tpu.memory_space<semaphore_mem>>
        %dma_start3A_173 = arith.constant 0 : i32
        %dma_start3A_174 = tpu.memref_slice %arg9[%arg0, %add3A_128, %dma_start3A_173] : memref<2x10000x64xf32, #tpu.memory_space<hbm>> -> memref<1x80x64xf32, #tpu.memory_space<hbm>>
        %dma_start3A_175 = tpu.memref_squeeze %dma_start3A_174 : memref<1x80x64xf32, #tpu.memory_space<hbm>> -> memref<80x64xf32, #tpu.memory_space<hbm>>
        %dma_start3A_176 = arith.constant 0 : i32
        %dma_start3A_177 = tpu.memref_slice %arg20[%add3A_128, %dma_start3A_176] : memref<10240x80xf32, #tpu.memory_space<vmem_shared>> -> memref<80x64xf32, #tpu.memory_space<vmem_shared>>
        tpu.enqueue_dma source(%dma_start3A_177 : memref<80x64xf32, #tpu.memory_space<vmem_shared>>) target(%dma_start3A_175 : memref<80x64xf32, #tpu.memory_space<hbm>>) target_semaphore(%run_scoped3A_172 : memref<!tpu.dma_semaphore, #tpu.memory_space<semaphore_mem>>)
        %dma_wait3A_178 = arith.constant 0 : i32
        %dma_wait3A_179 = tpu.memref_slice %arg9[%arg0, %add3A_128, %dma_wait3A_178] : memref<2x10000x64xf32, #tpu.memory_space<hbm>> -> memref<1x80x64xf32, #tpu.memory_space<hbm>>
        %dma_wait3A_180 = tpu.memref_squeeze %dma_wait3A_179 : memref<1x80x64xf32, #tpu.memory_space<hbm>> -> memref<80x64xf32, #tpu.memory_space<hbm>>
        %dma_wait3A_181 = arith.constant 0 : i32
        %dma_wait3A_182 = tpu.memref_slice %arg20[%add3A_128, %dma_wait3A_181] : memref<10240x80xf32, #tpu.memory_space<vmem_shared>> -> memref<80x64xf32, #tpu.memory_space<vmem_shared>>
        tpu.wait_dma2 semaphore(%run_scoped3A_172 : memref<!tpu.dma_semaphore, #tpu.memory_space<semaphore_mem>>) src(%dma_wait3A_182 : memref<80x64xf32, #tpu.memory_space<vmem_shared>>) dst(%dma_wait3A_180 : memref<80x64xf32, #tpu.memory_space<hbm>>)
        tpu.yield
      }) : () -> ()
    } else {
    }
    %add3A_136 = arith.constant 320 : i32
    %add3A_137 = arith.addi %mul3A_0, %add3A_136 : i32
    %add3A_138 = arith.constant 80 : i32
    %add3A_139 = arith.addi %add3A_137, %add3A_138 : i32
    %le3A_140 = arith.constant 10000 : i32
    %le3A_141 = arith.cmpi sle, %add3A_139, %le3A_140 : i32
    %convert_element_type3A_142 = arith.extui %le3A_141 : i1 to i32
    %cond3A_143 = arith.constant 0 : i32
    %cond3A_144 = arith.cmpi ne, %convert_element_type3A_142, %cond3A_143 : i32
    scf.if %cond3A_144 {
      "tpu.region"() ({
        %run_scoped3A_172 = tpu.sem_alloc : memref<!tpu.dma_semaphore, #tpu.memory_space<semaphore_mem>>
        %dma_start3A_173 = arith.constant 0 : i32
        %dma_start3A_174 = tpu.memref_slice %arg9[%arg0, %add3A_137, %dma_start3A_173] : memref<2x10000x64xf32, #tpu.memory_space<hbm>> -> memref<1x80x64xf32, #tpu.memory_space<hbm>>
        %dma_start3A_175 = tpu.memref_squeeze %dma_start3A_174 : memref<1x80x64xf32, #tpu.memory_space<hbm>> -> memref<80x64xf32, #tpu.memory_space<hbm>>
        %dma_start3A_176 = arith.constant 0 : i32
        %dma_start3A_177 = tpu.memref_slice %arg20[%add3A_137, %dma_start3A_176] : memref<10240x80xf32, #tpu.memory_space<vmem_shared>> -> memref<80x64xf32, #tpu.memory_space<vmem_shared>>
        tpu.enqueue_dma source(%dma_start3A_177 : memref<80x64xf32, #tpu.memory_space<vmem_shared>>) target(%dma_start3A_175 : memref<80x64xf32, #tpu.memory_space<hbm>>) target_semaphore(%run_scoped3A_172 : memref<!tpu.dma_semaphore, #tpu.memory_space<semaphore_mem>>)
        %dma_wait3A_178 = arith.constant 0 : i32
        %dma_wait3A_179 = tpu.memref_slice %arg9[%arg0, %add3A_137, %dma_wait3A_178] : memref<2x10000x64xf32, #tpu.memory_space<hbm>> -> memref<1x80x64xf32, #tpu.memory_space<hbm>>
        %dma_wait3A_180 = tpu.memref_squeeze %dma_wait3A_179 : memref<1x80x64xf32, #tpu.memory_space<hbm>> -> memref<80x64xf32, #tpu.memory_space<hbm>>
        %dma_wait3A_181 = arith.constant 0 : i32
        %dma_wait3A_182 = tpu.memref_slice %arg20[%add3A_137, %dma_wait3A_181] : memref<10240x80xf32, #tpu.memory_space<vmem_shared>> -> memref<80x64xf32, #tpu.memory_space<vmem_shared>>
        tpu.wait_dma2 semaphore(%run_scoped3A_172 : memref<!tpu.dma_semaphore, #tpu.memory_space<semaphore_mem>>) src(%dma_wait3A_182 : memref<80x64xf32, #tpu.memory_space<vmem_shared>>) dst(%dma_wait3A_180 : memref<80x64xf32, #tpu.memory_space<hbm>>)
        tpu.yield
      }) : () -> ()
    } else {
    }
    %add3A_145 = arith.constant 400 : i32
    %add3A_146 = arith.addi %mul3A_0, %add3A_145 : i32
    %add3A_147 = arith.constant 80 : i32
    %add3A_148 = arith.addi %add3A_146, %add3A_147 : i32
    %le3A_149 = arith.constant 10000 : i32
    %le3A_150 = arith.cmpi sle, %add3A_148, %le3A_149 : i32
    %convert_element_type3A_151 = arith.extui %le3A_150 : i1 to i32
    %cond3A_152 = arith.constant 0 : i32
    %cond3A_153 = arith.cmpi ne, %convert_element_type3A_151, %cond3A_152 : i32
    scf.if %cond3A_153 {
      "tpu.region"() ({
        %run_scoped3A_172 = tpu.sem_alloc : memref<!tpu.dma_semaphore, #tpu.memory_space<semaphore_mem>>
        %dma_start3A_173 = arith.constant 0 : i32
        %dma_start3A_174 = tpu.memref_slice %arg9[%arg0, %add3A_146, %dma_start3A_173] : memref<2x10000x64xf32, #tpu.memory_space<hbm>> -> memref<1x80x64xf32, #tpu.memory_space<hbm>>
        %dma_start3A_175 = tpu.memref_squeeze %dma_start3A_174 : memref<1x80x64xf32, #tpu.memory_space<hbm>> -> memref<80x64xf32, #tpu.memory_space<hbm>>
        %dma_start3A_176 = arith.constant 0 : i32
        %dma_start3A_177 = tpu.memref_slice %arg20[%add3A_146, %dma_start3A_176] : memref<10240x80xf32, #tpu.memory_space<vmem_shared>> -> memref<80x64xf32, #tpu.memory_space<vmem_shared>>
        tpu.enqueue_dma source(%dma_start3A_177 : memref<80x64xf32, #tpu.memory_space<vmem_shared>>) target(%dma_start3A_175 : memref<80x64xf32, #tpu.memory_space<hbm>>) target_semaphore(%run_scoped3A_172 : memref<!tpu.dma_semaphore, #tpu.memory_space<semaphore_mem>>)
        %dma_wait3A_178 = arith.constant 0 : i32
        %dma_wait3A_179 = tpu.memref_slice %arg9[%arg0, %add3A_146, %dma_wait3A_178] : memref<2x10000x64xf32, #tpu.memory_space<hbm>> -> memref<1x80x64xf32, #tpu.memory_space<hbm>>
        %dma_wait3A_180 = tpu.memref_squeeze %dma_wait3A_179 : memref<1x80x64xf32, #tpu.memory_space<hbm>> -> memref<80x64xf32, #tpu.memory_space<hbm>>
        %dma_wait3A_181 = arith.constant 0 : i32
        %dma_wait3A_182 = tpu.memref_slice %arg20[%add3A_146, %dma_wait3A_181] : memref<10240x80xf32, #tpu.memory_space<vmem_shared>> -> memref<80x64xf32, #tpu.memory_space<vmem_shared>>
        tpu.wait_dma2 semaphore(%run_scoped3A_172 : memref<!tpu.dma_semaphore, #tpu.memory_space<semaphore_mem>>) src(%dma_wait3A_182 : memref<80x64xf32, #tpu.memory_space<vmem_shared>>) dst(%dma_wait3A_180 : memref<80x64xf32, #tpu.memory_space<hbm>>)
        tpu.yield
      }) : () -> ()
    } else {
    }
    %add3A_154 = arith.constant 480 : i32
    %add3A_155 = arith.addi %mul3A_0, %add3A_154 : i32
    %add3A_156 = arith.constant 80 : i32
    %add3A_157 = arith.addi %add3A_155, %add3A_156 : i32
    %le3A_158 = arith.constant 10000 : i32
    %le3A_159 = arith.cmpi sle, %add3A_157, %le3A_158 : i32
    %convert_element_type3A_160 = arith.extui %le3A_159 : i1 to i32
    %cond3A_161 = arith.constant 0 : i32
    %cond3A_162 = arith.cmpi ne, %convert_element_type3A_160, %cond3A_161 : i32
    scf.if %cond3A_162 {
      "tpu.region"() ({
        %run_scoped3A_172 = tpu.sem_alloc : memref<!tpu.dma_semaphore, #tpu.memory_space<semaphore_mem>>
        %dma_start3A_173 = arith.constant 0 : i32
        %dma_start3A_174 = tpu.memref_slice %arg9[%arg0, %add3A_155, %dma_start3A_173] : memref<2x10000x64xf32, #tpu.memory_space<hbm>> -> memref<1x80x64xf32, #tpu.memory_space<hbm>>
        %dma_start3A_175 = tpu.memref_squeeze %dma_start3A_174 : memref<1x80x64xf32, #tpu.memory_space<hbm>> -> memref<80x64xf32, #tpu.memory_space<hbm>>
        %dma_start3A_176 = arith.constant 0 : i32
        %dma_start3A_177 = tpu.memref_slice %arg20[%add3A_155, %dma_start3A_176] : memref<10240x80xf32, #tpu.memory_space<vmem_shared>> -> memref<80x64xf32, #tpu.memory_space<vmem_shared>>
        tpu.enqueue_dma source(%dma_start3A_177 : memref<80x64xf32, #tpu.memory_space<vmem_shared>>) target(%dma_start3A_175 : memref<80x64xf32, #tpu.memory_space<hbm>>) target_semaphore(%run_scoped3A_172 : memref<!tpu.dma_semaphore, #tpu.memory_space<semaphore_mem>>)
        %dma_wait3A_178 = arith.constant 0 : i32
        %dma_wait3A_179 = tpu.memref_slice %arg9[%arg0, %add3A_155, %dma_wait3A_178] : memref<2x10000x64xf32, #tpu.memory_space<hbm>> -> memref<1x80x64xf32, #tpu.memory_space<hbm>>
        %dma_wait3A_180 = tpu.memref_squeeze %dma_wait3A_179 : memref<1x80x64xf32, #tpu.memory_space<hbm>> -> memref<80x64xf32, #tpu.memory_space<hbm>>
        %dma_wait3A_181 = arith.constant 0 : i32
        %dma_wait3A_182 = tpu.memref_slice %arg20[%add3A_155, %dma_wait3A_181] : memref<10240x80xf32, #tpu.memory_space<vmem_shared>> -> memref<80x64xf32, #tpu.memory_space<vmem_shared>>
        tpu.wait_dma2 semaphore(%run_scoped3A_172 : memref<!tpu.dma_semaphore, #tpu.memory_space<semaphore_mem>>) src(%dma_wait3A_182 : memref<80x64xf32, #tpu.memory_space<vmem_shared>>) dst(%dma_wait3A_180 : memref<80x64xf32, #tpu.memory_space<hbm>>)
        tpu.yield
      }) : () -> ()
    } else {
    }
    %add3A_163 = arith.constant 560 : i32
    %add3A_164 = arith.addi %mul3A_0, %add3A_163 : i32
    %add3A_165 = arith.constant 80 : i32
    %add3A_166 = arith.addi %add3A_164, %add3A_165 : i32
    %le3A_167 = arith.constant 10000 : i32
    %le3A_168 = arith.cmpi sle, %add3A_166, %le3A_167 : i32
    %convert_element_type3A_169 = arith.extui %le3A_168 : i1 to i32
    %cond3A_170 = arith.constant 0 : i32
    %cond3A_171 = arith.cmpi ne, %convert_element_type3A_169, %cond3A_170 : i32
    scf.if %cond3A_171 {
      "tpu.region"() ({
        %run_scoped3A_172 = tpu.sem_alloc : memref<!tpu.dma_semaphore, #tpu.memory_space<semaphore_mem>>
        %dma_start3A_173 = arith.constant 0 : i32
        %dma_start3A_174 = tpu.memref_slice %arg9[%arg0, %add3A_164, %dma_start3A_173] : memref<2x10000x64xf32, #tpu.memory_space<hbm>> -> memref<1x80x64xf32, #tpu.memory_space<hbm>>
        %dma_start3A_175 = tpu.memref_squeeze %dma_start3A_174 : memref<1x80x64xf32, #tpu.memory_space<hbm>> -> memref<80x64xf32, #tpu.memory_space<hbm>>
        %dma_start3A_176 = arith.constant 0 : i32
        %dma_start3A_177 = tpu.memref_slice %arg20[%add3A_164, %dma_start3A_176] : memref<10240x80xf32, #tpu.memory_space<vmem_shared>> -> memref<80x64xf32, #tpu.memory_space<vmem_shared>>
        tpu.enqueue_dma source(%dma_start3A_177 : memref<80x64xf32, #tpu.memory_space<vmem_shared>>) target(%dma_start3A_175 : memref<80x64xf32, #tpu.memory_space<hbm>>) target_semaphore(%run_scoped3A_172 : memref<!tpu.dma_semaphore, #tpu.memory_space<semaphore_mem>>)
        %dma_wait3A_178 = arith.constant 0 : i32
        %dma_wait3A_179 = tpu.memref_slice %arg9[%arg0, %add3A_164, %dma_wait3A_178] : memref<2x10000x64xf32, #tpu.memory_space<hbm>> -> memref<1x80x64xf32, #tpu.memory_space<hbm>>
        %dma_wait3A_180 = tpu.memref_squeeze %dma_wait3A_179 : memref<1x80x64xf32, #tpu.memory_space<hbm>> -> memref<80x64xf32, #tpu.memory_space<hbm>>
        %dma_wait3A_181 = arith.constant 0 : i32
        %dma_wait3A_182 = tpu.memref_slice %arg20[%add3A_164, %dma_wait3A_181] : memref<10240x80xf32, #tpu.memory_space<vmem_shared>> -> memref<80x64xf32, #tpu.memory_space<vmem_shared>>
        tpu.wait_dma2 semaphore(%run_scoped3A_172 : memref<!tpu.dma_semaphore, #tpu.memory_space<semaphore_mem>>) src(%dma_wait3A_182 : memref<80x64xf32, #tpu.memory_space<vmem_shared>>) dst(%dma_wait3A_180 : memref<80x64xf32, #tpu.memory_space<hbm>>)
        tpu.yield
      }) : () -> ()
    } else {
    }
    return
  }
}

module attributes {stable_mosaic.version = 14 : i64} {
  func.func @_edges_pre_body(%arg0: i32, %arg1: memref<6400x16xf32, #tpu.memory_space<vmem>>, %arg2: memref<16x144xf32, #tpu.memory_space<vmem>>, %arg3: memref<1x144xf32, #tpu.memory_space<vmem>>, %arg4: memref<2x6400x80xf32, #tpu.memory_space<vmem>>, %arg5: memref<1x16xf32, #tpu.memory_space<vmem>>) attributes {dimension_semantics = [#tpu.dimension_semantics<arbitrary>], iteration_bounds = array<i64: 50>, scalar_prefetch = 0 : i64, scratch_operands = 0 : i64, tpu.core_type = #tpu.core_type<tc>, window_params = [{transform_indices = @transform_0, window_bounds = array<i64: 6400, 16>}, {pipeline_mode = #tpu.pipeline_mode<synchronous>, transform_indices = @transform_1, window_bounds = array<i64: 16, 144>}, {pipeline_mode = #tpu.pipeline_mode<synchronous>, transform_indices = @transform_2, window_bounds = array<i64: 1, 144>}, {transform_indices = @transform_3, window_bounds = array<i64: 2, 6400, 80>}, {pipeline_mode = #tpu.pipeline_mode<synchronous>, transform_indices = @transform_4, window_bounds = array<i64: 1, 16>}]} {
    %get3A = arith.constant 0 : index
    %get3A_0 = arith.constant 0 : index
    %get3A_1 = vector.load %arg1[%get3A, %get3A_0] : memref<6400x16xf32, #tpu.memory_space<vmem>>, vector<6400x16xf32>
    %get3A_2 = arith.constant 0 : index
    %get3A_3 = arith.constant 0 : index
    %get3A_4 = vector.load %arg2[%get3A_2, %get3A_3] : memref<16x144xf32, #tpu.memory_space<vmem>>, vector<16x144xf32>
    %dot_general3A = arith.constant dense<0.000000e+00> : vector<6400x144xf32>
    %dot_general3A_5 = tpu.matmul %get3A_1, %get3A_4, %dot_general3A {dimension_numbers = #tpu.dot_dimension_numbers<[1], [0], [0], [1], [0, 0, 1, 1], [], []>, transpose_lhs_hint = false} : vector<6400x16xf32>, vector<16x144xf32>, vector<6400x144xf32> -> vector<6400x144xf32>
    %get3A_6 = arith.constant 0 : index
    %get3A_7 = arith.constant 0 : index
    %get3A_8 = vector.load %arg3[%get3A_6, %get3A_7] : memref<1x144xf32, #tpu.memory_space<vmem>>, vector<1x144xf32>
    %add3A = vector.broadcast %get3A_8 : vector<1x144xf32> to vector<6400x144xf32>
    %add3A_9 = arith.addf %dot_general3A_5, %add3A : vector<6400x144xf32>
    %slice3A = vector.extract_strided_slice %add3A_9 {offsets = [0, 128], sizes = [6400, 16], strides = [1, 1]} : vector<6400x144xf32> to vector<6400x16xf32>
    %slice3A_10 = vector.extract_strided_slice %add3A_9 {offsets = [0, 0], sizes = [6400, 64], strides = [1, 1]} : vector<6400x144xf32> to vector<6400x64xf32>
    %concatenate3A = tpu.concatenate %slice3A_10, %slice3A in 1 : vector<6400x64xf32>, vector<6400x16xf32> -> vector<6400x80xf32>
    %swap3A = arith.constant 0 : index
    %swap3A_11 = arith.constant 0 : index
    %swap3A_12 = arith.constant 0 : index
    %swap3A_13 = vector.load %arg4[%swap3A, %swap3A_11, %swap3A_12] : memref<2x6400x80xf32, #tpu.memory_space<vmem>>, vector<1x6400x80xf32>
    %swap3A_14 = vector.shape_cast %swap3A_13 : vector<1x6400x80xf32> to vector<6400x80xf32>
    %swap3A_15 = vector.shape_cast %concatenate3A : vector<6400x80xf32> to vector<1x6400x80xf32>
    tpu.vector_store %arg4[%swap3A, %swap3A_11, %swap3A_12], %swap3A_15 {strides = array<i32>} : memref<2x6400x80xf32, #tpu.memory_space<vmem>>, vector<1x6400x80xf32>,
    %slice3A_16 = vector.extract_strided_slice %add3A_9 {offsets = [0, 64], sizes = [6400, 64], strides = [1, 1]} : vector<6400x144xf32> to vector<6400x64xf32>
    %concatenate3A_17 = tpu.concatenate %slice3A_16, %slice3A in 1 : vector<6400x64xf32>, vector<6400x16xf32> -> vector<6400x80xf32>
    %swap3A_18 = arith.constant 1 : index
    %swap3A_19 = arith.constant 0 : index
    %swap3A_20 = arith.constant 0 : index
    %swap3A_21 = vector.load %arg4[%swap3A_18, %swap3A_19, %swap3A_20] : memref<2x6400x80xf32, #tpu.memory_space<vmem>>, vector<1x6400x80xf32>
    %swap3A_22 = vector.shape_cast %swap3A_21 : vector<1x6400x80xf32> to vector<6400x80xf32>
    %swap3A_23 = vector.shape_cast %concatenate3A_17 : vector<6400x80xf32> to vector<1x6400x80xf32>
    tpu.vector_store %arg4[%swap3A_18, %swap3A_19, %swap3A_20], %swap3A_23 {strides = array<i32>} : memref<2x6400x80xf32, #tpu.memory_space<vmem>>, vector<1x6400x80xf32>,
    %eq3A = arith.constant 0 : i32
    %eq3A_24 = arith.cmpi eq, %arg0, %eq3A : i32
    %convert_element_type3A = arith.extui %eq3A_24 : i1 to i32
    %cond3A = arith.constant 0 : i32
    %cond3A_25 = arith.cmpi ne, %convert_element_type3A, %cond3A : i32
    scf.if %cond3A_25 {
      %broadcast_in_dim3A_34 = arith.constant 0.000000e+00 : f32
      %broadcast_in_dim3A_35 = vector.broadcast %broadcast_in_dim3A_34 : f32 to vector<1x16xf32>
      %swap3A_36 = arith.constant 0 : index
      %swap3A_37 = arith.constant 0 : index
      %swap3A_38 = vector.load %arg5[%swap3A_36, %swap3A_37] : memref<1x16xf32, #tpu.memory_space<vmem>>, vector<1x16xf32>
      tpu.vector_store %arg5[%swap3A_36, %swap3A_37], %broadcast_in_dim3A_35 {strides = array<i32>} : memref<1x16xf32, #tpu.memory_space<vmem>>, vector<1x16xf32>,
    } else {
    }
    %get3A_26 = arith.constant 0 : index
    %get3A_27 = arith.constant 0 : index
    %get3A_28 = vector.load %arg5[%get3A_26, %get3A_27] : memref<1x16xf32, #tpu.memory_space<vmem>>, vector<1x16xf32>
    %reduce_sum3A = arith.constant dense<0.000000e+00> : vector<16xf32>
    %reduce_sum3A_29 = vector.multi_reduction <add>, %get3A_1, %reduce_sum3A [0] : vector<6400x16xf32> to vector<16xf32>
    %broadcast_in_dim3A = vector.shape_cast %reduce_sum3A_29 : vector<16xf32> to vector<1x16xf32>
    %add3A_30 = arith.addf %get3A_28, %broadcast_in_dim3A : vector<1x16xf32>
    %swap3A_31 = arith.constant 0 : index
    %swap3A_32 = arith.constant 0 : index
    %swap3A_33 = vector.load %arg5[%swap3A_31, %swap3A_32] : memref<1x16xf32, #tpu.memory_space<vmem>>, vector<1x16xf32>
    tpu.vector_store %arg5[%swap3A_31, %swap3A_32], %add3A_30 {strides = array<i32>} : memref<1x16xf32, #tpu.memory_space<vmem>>, vector<1x16xf32>,
    return
  }
  func.func @transform_0(%arg0: i32) -> (i32, i32) {
    %c0_i32 = arith.constant 0 : i32
    %c0_i32_0 = arith.constant 0 : i32
    return %arg0, %c0_i32 : i32, i32
  }
  func.func @transform_1(%arg0: i32) -> (i32, i32) {
    %c0_i32 = arith.constant 0 : i32
    %c0_i32_0 = arith.constant 0 : i32
    %c0_i32_1 = arith.constant 0 : i32
    return %c0_i32, %c0_i32_0 : i32, i32
  }
  func.func @transform_2(%arg0: i32) -> (i32, i32) {
    %c0_i32 = arith.constant 0 : i32
    %c0_i32_0 = arith.constant 0 : i32
    %c0_i32_1 = arith.constant 0 : i32
    return %c0_i32, %c0_i32_0 : i32, i32
  }
  func.func @transform_3(%arg0: i32) -> (i32, i32, i32) {
    %c0_i32 = arith.constant 0 : i32
    %c0_i32_0 = arith.constant 0 : i32
    %c0_i32_1 = arith.constant 0 : i32
    return %c0_i32, %arg0, %c0_i32_0 : i32, i32, i32
  }
  func.func @transform_4(%arg0: i32) -> (i32, i32) {
    %c0_i32 = arith.constant 0 : i32
    %c0_i32_0 = arith.constant 0 : i32
    %c0_i32_1 = arith.constant 0 : i32
    return %c0_i32, %c0_i32_0 : i32, i32
  }
}

module attributes {stable_mosaic.version = 14 : i64} {
  func.func @_tables_body(%arg0: memref<10000x128xf32, #tpu.memory_space<vmem>>, %arg1: memref<128x128xf32, #tpu.memory_space<vmem>>, %arg2: memref<128x16xf32, #tpu.memory_space<vmem>>, %arg3: memref<128x128xf32, #tpu.memory_space<vmem>>, %arg4: memref<128x16xf32, #tpu.memory_space<vmem>>, %arg5: memref<1x16xf32, #tpu.memory_space<vmem>>, %arg6: memref<1x128xf32, #tpu.memory_space<vmem>>, %arg7: memref<128x128xf32, #tpu.memory_space<vmem>>, %arg8: memref<1x128xf32, #tpu.memory_space<vmem>>, %arg9: memref<16x128xf32, #tpu.memory_space<vmem>>, %arg10: memref<1x128xf32, #tpu.memory_space<vmem>>, %arg11: memref<128x128xf32, #tpu.memory_space<vmem>>, %arg12: memref<1x128xf32, #tpu.memory_space<vmem>>, %arg13: memref<384x128xf32, #tpu.memory_space<vmem>>, %arg14: memref<1x128xf32, #tpu.memory_space<vmem>>, %arg15: memref<20000x80xf32, #tpu.memory_space<vmem>>, %arg16: memref<20000x80xf32, #tpu.memory_space<vmem>>, %arg17: memref<1x128xf32, #tpu.memory_space<vmem>>) attributes {dimension_semantics = [], scalar_prefetch = 0 : i64, scratch_operands = 0 : i64, tpu.core_type = #tpu.core_type<tc>} {
    %get3A = arith.constant 0 : index
    %get3A_0 = arith.constant 0 : index
    %get3A_1 = vector.load %arg0[%get3A, %get3A_0] : memref<10000x128xf32, #tpu.memory_space<vmem>>, vector<10000x128xf32>
    %get3A_2 = arith.constant 0 : index
    %get3A_3 = arith.constant 0 : index
    %get3A_4 = vector.load %arg1[%get3A_2, %get3A_3] : memref<128x128xf32, #tpu.memory_space<vmem>>, vector<128x128xf32>
    %dot_general3A = arith.constant dense<0.000000e+00> : vector<10000x128xf32>
    %dot_general3A_5 = tpu.matmul %get3A_1, %get3A_4, %dot_general3A {dimension_numbers = #tpu.dot_dimension_numbers<[1], [0], [0], [1], [0, 0, 1, 1], [], []>, transpose_lhs_hint = false} : vector<10000x128xf32>, vector<128x128xf32>, vector<10000x128xf32> -> vector<10000x128xf32>
    %get3A_6 = arith.constant 0 : index
    %get3A_7 = arith.constant 0 : index
    %get3A_8 = vector.load %arg2[%get3A_6, %get3A_7] : memref<128x16xf32, #tpu.memory_space<vmem>>, vector<128x16xf32>
    %dot_general3A_9 = arith.constant dense<0.000000e+00> : vector<10000x16xf32>
    %dot_general3A_10 = tpu.matmul %get3A_1, %get3A_8, %dot_general3A_9 {dimension_numbers = #tpu.dot_dimension_numbers<[1], [0], [0], [1], [0, 0, 1, 1], [], []>, transpose_lhs_hint = false} : vector<10000x128xf32>, vector<128x16xf32>, vector<10000x16xf32> -> vector<10000x16xf32>
    %get3A_11 = arith.constant 0 : index
    %get3A_12 = arith.constant 0 : index
    %get3A_13 = vector.load %arg3[%get3A_11, %get3A_12] : memref<128x128xf32, #tpu.memory_space<vmem>>, vector<128x128xf32>
    %dot_general3A_14 = arith.constant dense<0.000000e+00> : vector<10000x128xf32>
    %dot_general3A_15 = tpu.matmul %get3A_1, %get3A_13, %dot_general3A_14 {dimension_numbers = #tpu.dot_dimension_numbers<[1], [0], [0], [1], [0, 0, 1, 1], [], []>, transpose_lhs_hint = false} : vector<10000x128xf32>, vector<128x128xf32>, vector<10000x128xf32> -> vector<10000x128xf32>
    %get3A_16 = arith.constant 0 : index
    %get3A_17 = arith.constant 0 : index
    %get3A_18 = vector.load %arg4[%get3A_16, %get3A_17] : memref<128x16xf32, #tpu.memory_space<vmem>>, vector<128x16xf32>
    %dot_general3A_19 = arith.constant dense<0.000000e+00> : vector<10000x16xf32>
    %dot_general3A_20 = tpu.matmul %get3A_1, %get3A_18, %dot_general3A_19 {dimension_numbers = #tpu.dot_dimension_numbers<[1], [0], [0], [1], [0, 0, 1, 1], [], []>, transpose_lhs_hint = false} : vector<10000x128xf32>, vector<128x16xf32>, vector<10000x16xf32> -> vector<10000x16xf32>
    %slice3A = vector.extract_strided_slice %dot_general3A_5 {offsets = [0, 0], sizes = [10000, 64], strides = [1, 1]} : vector<10000x128xf32> to vector<10000x64xf32>
    %concatenate3A = tpu.concatenate %slice3A, %dot_general3A_10 in 1 : vector<10000x64xf32>, vector<10000x16xf32> -> vector<10000x80xf32>
    %slice3A_21 = vector.extract_strided_slice %dot_general3A_5 {offsets = [0, 64], sizes = [10000, 64], strides = [1, 1]} : vector<10000x128xf32> to vector<10000x64xf32>
    %concatenate3A_22 = tpu.concatenate %slice3A_21, %dot_general3A_10 in 1 : vector<10000x64xf32>, vector<10000x16xf32> -> vector<10000x80xf32>
    %concatenate3A_23 = tpu.concatenate %concatenate3A, %concatenate3A_22 in 0 : vector<10000x80xf32>, vector<10000x80xf32> -> vector<20000x80xf32>
    %swap3A = arith.constant 0 : index
    %swap3A_24 = arith.constant 0 : index
    %swap3A_25 = vector.load %arg15[%swap3A, %swap3A_24] : memref<20000x80xf32, #tpu.memory_space<vmem>>, vector<20000x80xf32>
    tpu.vector_store %arg15[%swap3A, %swap3A_24], %concatenate3A_23 {strides = array<i32>} : memref<20000x80xf32, #tpu.memory_space<vmem>>, vector<20000x80xf32>,
    %slice3A_26 = vector.extract_strided_slice %dot_general3A_15 {offsets = [0, 0], sizes = [10000, 64], strides = [1, 1]} : vector<10000x128xf32> to vector<10000x64xf32>
    %concatenate3A_27 = tpu.concatenate %slice3A_26, %dot_general3A_20 in 1 : vector<10000x64xf32>, vector<10000x16xf32> -> vector<10000x80xf32>
    %slice3A_28 = vector.extract_strided_slice %dot_general3A_15 {offsets = [0, 64], sizes = [10000, 64], strides = [1, 1]} : vector<10000x128xf32> to vector<10000x64xf32>
    %concatenate3A_29 = tpu.concatenate %slice3A_28, %dot_general3A_20 in 1 : vector<10000x64xf32>, vector<10000x16xf32> -> vector<10000x80xf32>
    %concatenate3A_30 = tpu.concatenate %concatenate3A_27, %concatenate3A_29 in 0 : vector<10000x80xf32>, vector<10000x80xf32> -> vector<20000x80xf32>
    %swap3A_31 = arith.constant 0 : index
    %swap3A_32 = arith.constant 0 : index
    %swap3A_33 = vector.load %arg16[%swap3A_31, %swap3A_32] : memref<20000x80xf32, #tpu.memory_space<vmem>>, vector<20000x80xf32>
    tpu.vector_store %arg16[%swap3A_31, %swap3A_32], %concatenate3A_30 {strides = array<i32>} : memref<20000x80xf32, #tpu.memory_space<vmem>>, vector<20000x80xf32>,
    %reduce_sum3A = arith.constant dense<0.000000e+00> : vector<128xf32>
    %reduce_sum3A_34 = vector.multi_reduction <add>, %get3A_1, %reduce_sum3A [0] : vector<10000x128xf32> to vector<128xf32>
    %broadcast_in_dim3A = vector.shape_cast %reduce_sum3A_34 : vector<128xf32> to vector<1x128xf32>
    %get3A_35 = arith.constant 0 : index
    %get3A_36 = arith.constant 0 : index
    %get3A_37 = vector.load %arg7[%get3A_35, %get3A_36] : memref<128x128xf32, #tpu.memory_space<vmem>>, vector<128x128xf32>
    %dot_general3A_38 = arith.constant dense<0.000000e+00> : vector<1x128xf32>
    %dot_general3A_39 = tpu.matmul %broadcast_in_dim3A, %get3A_37, %dot_general3A_38 {dimension_numbers = #tpu.dot_dimension_numbers<[1], [0], [0], [1], [0, 0, 1, 1], [], []>, transpose_lhs_hint = false} : vector<1x128xf32>, vector<128x128xf32>, vector<1x128xf32> -> vector<1x128xf32>
    %get3A_40 = arith.constant 0 : index
    %get3A_41 = arith.constant 0 : index
    %get3A_42 = vector.load %arg8[%get3A_40, %get3A_41] : memref<1x128xf32, #tpu.memory_space<vmem>>, vector<1x128xf32>
    %add3A = arith.addf %dot_general3A_39, %get3A_42 : vector<1x128xf32>
    %ge3A = arith.constant 0.000000e+00 : f32
    %ge3A_43 = vector.broadcast %ge3A : f32 to vector<1x128xf32>
    %ge3A_44 = arith.cmpf oge, %add3A, %ge3A_43 : vector<1x128xf32>
    %mul3A = arith.constant 0.00999999977 : f32
    %mul3A_45 = vector.broadcast %mul3A : f32 to vector<1x128xf32>
    %mul3A_46 = arith.mulf %mul3A_45, %add3A : vector<1x128xf32>
    %select_n3A = arith.select %ge3A_44, %add3A, %mul3A_46 : vector<1x128xi1>, vector<1x128xf32>
    %get3A_47 = arith.constant 0 : index
    %get3A_48 = arith.constant 0 : index
    %get3A_49 = vector.load %arg5[%get3A_47, %get3A_48] : memref<1x16xf32, #tpu.memory_space<vmem>>, vector<1x16xf32>
    %get3A_50 = arith.constant 0 : index
    %get3A_51 = arith.constant 0 : index
    %get3A_52 = vector.load %arg9[%get3A_50, %get3A_51] : memref<16x128xf32, #tpu.memory_space<vmem>>, vector<16x128xf32>
    %dot_general3A_53 = arith.constant dense<0.000000e+00> : vector<1x128xf32>
    %dot_general3A_54 = tpu.matmul %get3A_49, %get3A_52, %dot_general3A_53 {dimension_numbers = #tpu.dot_dimension_numbers<[1], [0], [0], [1], [0, 0, 1, 1], [], []>, transpose_lhs_hint = false} : vector<1x16xf32>, vector<16x128xf32>, vector<1x128xf32> -> vector<1x128xf32>
    %get3A_55 = arith.constant 0 : index
    %get3A_56 = arith.constant 0 : index
    %get3A_57 = vector.load %arg10[%get3A_55, %get3A_56] : memref<1x128xf32, #tpu.memory_space<vmem>>, vector<1x128xf32>
    %add3A_58 = arith.addf %dot_general3A_54, %get3A_57 : vector<1x128xf32>
    %ge3A_59 = arith.constant 0.000000e+00 : f32
    %ge3A_60 = vector.broadcast %ge3A_59 : f32 to vector<1x128xf32>
    %ge3A_61 = arith.cmpf oge, %add3A_58, %ge3A_60 : vector<1x128xf32>
    %mul3A_62 = arith.constant 0.00999999977 : f32
    %mul3A_63 = vector.broadcast %mul3A_62 : f32 to vector<1x128xf32>
    %mul3A_64 = arith.mulf %mul3A_63, %add3A_58 : vector<1x128xf32>
    %select_n3A_65 = arith.select %ge3A_61, %add3A_58, %mul3A_64 : vector<1x128xi1>, vector<1x128xf32>
    %get3A_66 = arith.constant 0 : index
    %get3A_67 = arith.constant 0 : index
    %get3A_68 = vector.load %arg6[%get3A_66, %get3A_67] : memref<1x128xf32, #tpu.memory_space<vmem>>, vector<1x128xf32>
    %get3A_69 = arith.constant 0 : index
    %get3A_70 = arith.constant 0 : index
    %get3A_71 = vector.load %arg11[%get3A_69, %get3A_70] : memref<128x128xf32, #tpu.memory_space<vmem>>, vector<128x128xf32>
    %dot_general3A_72 = arith.constant dense<0.000000e+00> : vector<1x128xf32>
    %dot_general3A_73 = tpu.matmul %get3A_68, %get3A_71, %dot_general3A_72 {dimension_numbers = #tpu.dot_dimension_numbers<[1], [0], [0], [1], [0, 0, 1, 1], [], []>, transpose_lhs_hint = false} : vector<1x128xf32>, vector<128x128xf32>, vector<1x128xf32> -> vector<1x128xf32>
    %get3A_74 = arith.constant 0 : index
    %get3A_75 = arith.constant 0 : index
    %get3A_76 = vector.load %arg12[%get3A_74, %get3A_75] : memref<1x128xf32, #tpu.memory_space<vmem>>, vector<1x128xf32>
    %add3A_77 = arith.addf %dot_general3A_73, %get3A_76 : vector<1x128xf32>
    %ge3A_78 = arith.constant 0.000000e+00 : f32
    %ge3A_79 = vector.broadcast %ge3A_78 : f32 to vector<1x128xf32>
    %ge3A_80 = arith.cmpf oge, %add3A_77, %ge3A_79 : vector<1x128xf32>
    %mul3A_81 = arith.constant 0.00999999977 : f32
    %mul3A_82 = vector.broadcast %mul3A_81 : f32 to vector<1x128xf32>
    %mul3A_83 = arith.mulf %mul3A_82, %add3A_77 : vector<1x128xf32>
    %select_n3A_84 = arith.select %ge3A_80, %add3A_77, %mul3A_83 : vector<1x128xi1>, vector<1x128xf32>
    %concatenate3A_85 = tpu.concatenate %select_n3A_84, %select_n3A, %select_n3A_65 in 1 : vector<1x128xf32>, vector<1x128xf32>, vector<1x128xf32> -> vector<1x384xf32>
    %get3A_86 = arith.constant 0 : index
    %get3A_87 = arith.constant 0 : index
    %get3A_88 = vector.load %arg13[%get3A_86, %get3A_87] : memref<384x128xf32, #tpu.memory_space<vmem>>, vector<384x128xf32>
    %dot_general3A_89 = arith.constant dense<0.000000e+00> : vector<1x128xf32>
    %dot_general3A_90 = tpu.matmul %concatenate3A_85, %get3A_88, %dot_general3A_89 {dimension_numbers = #tpu.dot_dimension_numbers<[1], [0], [0], [1], [0, 0, 1, 1], [], []>, transpose_lhs_hint = false} : vector<1x384xf32>, vector<384x128xf32>, vector<1x128xf32> -> vector<1x128xf32>
    %get3A_91 = arith.constant 0 : index
    %get3A_92 = arith.constant 0 : index
    %get3A_93 = vector.load %arg14[%get3A_91, %get3A_92] : memref<1x128xf32, #tpu.memory_space<vmem>>, vector<1x128xf32>
    %add3A_94 = arith.addf %dot_general3A_90, %get3A_93 : vector<1x128xf32>
    %ge3A_95 = arith.constant 0.000000e+00 : f32
    %ge3A_96 = vector.broadcast %ge3A_95 : f32 to vector<1x128xf32>
    %ge3A_97 = arith.cmpf oge, %add3A_94, %ge3A_96 : vector<1x128xf32>
    %mul3A_98 = arith.constant 0.00999999977 : f32
    %mul3A_99 = vector.broadcast %mul3A_98 : f32 to vector<1x128xf32>
    %mul3A_100 = arith.mulf %mul3A_99, %add3A_94 : vector<1x128xf32>
    %select_n3A_101 = arith.select %ge3A_97, %add3A_94, %mul3A_100 : vector<1x128xi1>, vector<1x128xf32>
    %swap3A_102 = arith.constant 0 : index
    %swap3A_103 = arith.constant 0 : index
    %swap3A_104 = vector.load %arg17[%swap3A_102, %swap3A_103] : memref<1x128xf32, #tpu.memory_space<vmem>>, vector<1x128xf32>
    tpu.vector_store %arg17[%swap3A_102, %swap3A_103], %select_n3A_101 {strides = array<i32>} : memref<1x128xf32, #tpu.memory_space<vmem>>, vector<1x128xf32>,
    return
  }
}

</mosaic_0001>

<sc_bundles>
// kernel: kernel.5.cloned.1.call-start
scs
__scs_entry_jumppad:
0x0: {  	(pc) =	sbr.rel $0x88, $3  }
0x1: {  	(tag) =	ssettag $0x0;
	lr =	simm.s32 $0x1  }
0x2: {  	[smem:$0x3F90] =	sst lr;
	_ =	strace $0xD0000000  }
0x3: {  	_ = 	snop  }
0x4: {  	_ = 	snop  }
0x5: {  	_ = 	snop  }
0x6: {  	_ = 	snop  }
0x7: {  	_ = 	snop  }
__scs_overlays_trampoline_lowered:
0x8: {  	[smem:$0x3F9F] =	sst s0  }
0x9: {  	[smem:$0x3FA0] =	sst s1  }
0xa: {  	[smem:$0x3FA1] =	sst s2  }
0xb: {  	[smem:$0x3FA2] =	sst s3  }
0xc: {  	[smem:$0x3FA3] =	sst s4  }
0xd: {  	[smem:$0x3FA4] =	sst s5  }
0xe: {  	[smem:$0x3FA5] =	sst s6  }
0xf: {  	[smem:$0x3FA6] =	sst s7  }
0x10: {  	[smem:$0x3FA7] =	sst s8  }
0x11: {  	[smem:$0x3FA8] =	sst s9;
	s0 =	simm.s32 @!p0 $0x0  }
0x12: {  	s1 =	sld [smem:$0x3F8E];
	s0 =	simm.s32 @p0 $0x1  }
0x13: {  	[smem:$0x3FA9] =	sst s0;
	s0 =	simm.s32 @!p1 $0x0  }
0x14: {  	s2 =	sld [smem:$0x3F8D];
	s0 =	simm.s32 @p1 $0x1  }
0x15: {  	[smem:$0x3FAA] =	sst s0;
	s0 =	simm.s32 @!p2 $0x0  }
0x16: {  	s3 =	sld [smem:$0x3FDB];
	s0 =	simm.s32 @p2 $0x1  }
0x17: {  	s4 =	simm.s32 $0x1BF5;
	[smem:$0x3FAC] =	sst s0  }
0x18: {  	s0 =	sld [smem:$0x3F8F];
	_ =	swait.ge [sflag:s4], $0x0  }
0x19: {  	s7 =	sld [smem:$0x3F90]  }
0x1a: {  	s8 =	sadd.s32 $0xFFFFE003, lr  }
0x1b: {  	s9 =	sadd.s32 $0xFFFFFEF7, lr;
	s5 =	simm.s32 $0xFFFFFFFF;
	p2 =	slt.u32 s8, $0xFFFFF086  }
0x1c: {  	p1 =	slt.u32 s9, $0xF7A;
	s5 =	simm.s32 @!p2 $0x0  }
0x1d: {  	s5 =	simm.s32 @p1 $0x1;
	p0 =	seq.s32 s7, s2  }
0x1e: {  	s7 =	smul.u32 @!p0 $0xF7A, s2;
	p2 =	seq.s32 @!p0 s5, $0x0  }
0x1f: {  	s9 =	smul.u32 $0xF7A, s1;
	s8 =	simm.s32 @!p0 $0x1BF5;
	p2 =	por !p2, p0  }
0x20: {  	[sflag:s8] =	ssyncset.s32 @!p0 $0xFFFFF086;
	s6 =	sadd.s32 @!p0 s3, s7;
	s7 =	simm.s32 @!p0 $0x108  }
0x21: {  	s3 =	sadd.s32 s3, s9;
	s6 =	sadd.s32 @!p0 $0x88, s6;
	s7 =	simm.s32 @p2 $0x1082  }
0x22: {  	[simem:s7], [sflag:s8] =	dma.local @!p0 [hbm:s6], $0xF7A  }
0x23: {  	s9 =	sor.u32 $0xD0000000, s2;
	s6 =	simm.s32 $0x108;
	_ =	swait.ge @!p0 [sflag:s8], $0x0  }
0x24: {  	s3 =	sadd.s32 $0x88, s3;
	s6 =	simm.s32 @!p1 $0x1082;
	[sflag:s4] =	ssyncset.s32 $0xFFFFF086  }
0x25: {  	[simem:s6], [sflag:s4] =	dma.local [hbm:s3], $0xF7A  }
0x26: {  	[smem:$0x3F90] =	sst s1;
	(tag) =	ssettag s2;
	_ =	strace s9  }
0x27: {  	s1 =	sld [smem:$0x3FA0]  }
0x28: {  	s2 =	sld [smem:$0x3FA1]  }
0x29: {  	s4 =	sld [smem:$0x3FA3]  }
0x2a: {  	p0 =	seq.s32 s5, $0x0;
	s5 =	sld [smem:$0x3FA4]  }
0x2b: {  	s6 =	sld [smem:$0x3FA5]  }
0x2c: {  	s7 =	sld [smem:$0x3FA6]  }
0x2d: {  	s3 =	simm.s32 $0x108;
	s8 =	sld [smem:$0x3FA7]  }
0x2e: {  	s3 =	simm.s32 @!p0 $0x1082;
	s9 =	sld [smem:$0x3FA8]  }
0x2f: {  	lr =	sadd.s32 s0, s3;
	s0 =	sld [smem:$0x3F9F]  }
0x30: {  	s3 =	sld [smem:$0x3FA2]  }
0x31: {  	[smem:$0x3FAB] =	sst s10  }
0x32: {  	s10 =	sld [smem:$0x3FA9];
	_ =	sdelay $0x3  }
0x33: {  	p0 =	seq.s32 s10, $0x1;
	s10 =	sld [smem:$0x3FAB];
	_ =	sdelay $0x3  }
0x34: {  	[smem:$0x3FAB] =	sst s10  }
0x35: {  	s10 =	sld [smem:$0x3FAA];
	_ =	sdelay $0x3  }
0x36: {  	p1 =	seq.s32 s10, $0x1;
	s10 =	sld [smem:$0x3FAB];
	_ =	sdelay $0x3  }
0x37: {  	[smem:$0x3FAB] =	sst s10  }
0x38: {  	s10 =	sld [smem:$0x3FAC]  }
0x39: {  	_ = 	snop;
	(pc) =	sbr.ind lr, $3  }
0x3a: {  	_ = 	snop  }
0x3b: {  	_ = 	snop  }
0x3c: {  	p2 =	seq.s32 s10, $0x1;
	s10 =	sld [smem:$0x3FAB]  }
0x3d: {  	_ =	shalt  }
0x3e: {  	_ =	shalt  }
0x3f: {  	_ =	shalt  }
0x40: {  	_ =	shalt  }
0x41: {  	_ =	shalt  }
0x42: {  	_ =	shalt  }
0x43: {  	_ =	shalt  }
0x44: {  	_ =	shalt  }
0x45: {  	_ =	shalt  }
0x46: {  	_ =	shalt  }
0x47: {  	_ =	shalt  }
0x48: {  	_ =	shalt  }
0x49: {  	_ =	shalt  }
0x4a: {  	_ =	shalt  }
0x4b: {  	_ =	shalt  }
0x4c: {  	_ =	shalt  }
0x4d: {  	_ =	shalt  }
0x4e: {  	_ =	shalt  }
0x4f: {  	_ =	shalt  }
0x50: {  	_ =	shalt  }
0x51: {  	_ =	shalt  }
0x52: {  	_ =	shalt  }
0x53: {  	_ =	shalt  }
0x54: {  	_ =	shalt  }
0x55: {  	_ =	shalt  }
0x56: {  	_ =	shalt  }
0x57: {  	_ =	shalt  }
0x58: {  	_ =	shalt  }
0x59: {  	_ =	shalt  }
0x5a: {  	_ =	shalt  }
0x5b: {  	_ =	shalt  }
0x5c: {  	_ =	shalt  }
0x5d: {  	_ =	shalt  }
0x5e: {  	_ =	shalt  }
0x5f: {  	_ =	shalt  }
0x60: {  	_ =	shalt  }
0x61: {  	_ =	shalt  }
0x62: {  	_ =	shalt  }
0x63: {  	_ =	shalt  }
0x64: {  	_ =	shalt  }
0x65: {  	_ =	shalt  }
0x66: {  	_ =	shalt  }
0x67: {  	_ =	shalt  }
0x68: {  	_ =	shalt  }
0x69: {  	_ =	shalt  }
0x6a: {  	_ =	shalt  }
0x6b: {  	_ =	shalt  }
0x6c: {  	_ =	shalt  }
0x6d: {  	_ =	shalt  }
0x6e: {  	_ =	shalt  }
0x6f: {  	_ =	shalt  }
0x70: {  	_ =	shalt  }
0x71: {  	_ =	shalt  }
0x72: {  	_ =	shalt  }
0x73: {  	_ =	shalt  }
0x74: {  	_ =	shalt  }
0x75: {  	_ =	shalt  }
0x76: {  	_ =	shalt  }
0x77: {  	_ =	shalt  }
0x78: {  	_ =	shalt  }
0x79: {  	_ =	shalt  }
0x7a: {  	_ =	shalt  }
0x7b: {  	_ =	shalt  }
0x7c: {  	_ =	shalt  }
0x7d: {  	_ =	shalt  }
0x7e: {  	_ =	shalt  }
0x7f: {  	_ =	shalt  }
0x80: {  	_ =	shalt  }
0x81: {  	_ =	shalt  }
0x82: {  	_ =	shalt  }
0x83: {  	_ =	shalt  }
0x84: {  	_ =	shalt  }
0x85: {  	_ =	shalt  }
0x86: {  	_ =	shalt  }
0x87: {  	_ =	shalt  }
.Lfunc_end0:
.L_simem_size_0:
called_computation_lowered:
.L_overlay_start_0:
0x88: {  	s2 =	sld [smem:$0x3FD9]  }
0x89: {  	s3 =	sld [smem:$0x3FFE];
	_ =	sdelay $0x1  }
0x8a: {  	s1 =	srdreg.scid  }
0x8b: {  	s0 =	sand.u32 $0x1, s1  }
0x8c: {  	s14 =	sshll.u32 s0, $0xA;
	s2 =	sadd.s32 s3, s2  }
0x8d: {  	s2 =	sadd.s32 s2, s14  }
0x8e: {  	[smem:$0x3FB7] =	sst s2  }
0x8f: {  	_ = 	snop  }
0x90: {  	s2 =	sld [smem:$0x3FD0];
	_ =	sdelay $0x2  }
0x91: {  	s4 =	simm.s32 $0xA;
	s5 =	simm.s32 $0x10;
	s15 =	sld [smem:$0x3FB9]  }
0x92: {  	[smem:s5], [sflag:s4] =	dma.local [hbm:s2], $0x1  }
0x93: {  	_ =	swait.eq [sflag:s4], $0x1  }
0x94: {  	[sflag:s4] =	ssyncset.done $0x0  }
0x95: {  	s16 =	sld [smem:$0x10];
	[sflag:s4] =	ssyncadd.s32 $0xFFFFFFFF  }
0x96: {  	s17 =	sld [smem:$0x11];
	(tm) =	ssettm $0x1  }
0x97: {  	s18 =	sld [smem:$0x3FFB];
	_ =	sdelay $0x3  }
0x98: {  	_ =	strace s18  }
0x99: {  	s5 =	sld [smem:$0x3FFC];
	_ =	sdelay $0x3  }
0x9a: {  	_ =	strace s5  }
0x9b: {  	s5 =	sld [smem:$0x3FFD];
	_ =	sdelay $0x3  }
0x9c: {  	_ =	strace s5  }
0x9d: {  	_ =	strace $0x8FFFFFFF  }
0x9e: {  	s19 =	sld [smem:$0x3FDB];
	_ =	sdelay $0x1  }
0x9f: {  	s6 =	simm.s32 $_scs_section_size  }
0xa0: {  	s7 =	simm.s32 $_size__tile_overlayer_lowered;
	s8 =	simm.s32 $_tile_overlayer_lowered  }
0xa1: {  	s22 =	simm.s32 $0x1BFF;
	s21 =	sshll.u32 s8, $0x1;
	s5 =	sadd.s32 s6, s19  }
0xa2: {  	s9 =	simm.s32 $0x0;
	s20 =	sshll.u32 s7, $0x1;
	s7 =	sadd.s32 s21, s5  }
0xa3: {  	[timem:s9], [sflag:s22] =	dma.local [hbm:s7], s20  }
0xa4: {  	_ =	swait.ge [sflag:s22], s20  }
0xa5: {  	s6 =	ssub.s32 $0x0, s20;
	[sflag:s22] =	ssyncset.done $0x0  }
0xa6: {  	[sflag:s22] =	ssyncadd.s32 s6;
	_ =	sdelay $0x1  }
0xa7: {  	s23 =	simm.s32 $0x1B8B  }
0xa8: {  	_ =	swait.ge [sflag:s23], $0x1  }
0xa9: {  	[sflag:s23] =	ssyncset.done $0x0  }
0xaa: {  	s25 =	simm.s32 $0x1B8E;
	s24 =	sld [smem:$0x3FFE];
	[sflag:s23] =	ssyncadd.s32 $0xFFFFFFFF  }
0xab: {  	s26 =	simm.s32 $execute0_lowered;
	[smem:$0x3FD2] =	sst s25  }
0xac: {  	s7 =	sshll.u32 s26, $0x1;
	_ =	strace $0x80000046;
	[dreg:$0x1] =	wrdreg $0xFFFFFFFF  }
0xad: {  	s28 =	simm.s32 $_size_execute0_lowered;
	s5 =	sadd.s32 s5, s7;
	[dreg:$0x0] =	wrdreg $0x0  }
0xae: {  	s7 =	sshll.u32 s28, $0x1;
	[dreg:$0x2] =	wrdreg s5  }
0xaf: {  	[dreg:$0x3] =	wrdreg s7  }
0xb0: {  	[dreg:$0x4] =	wrdreg $0xC0  }
0xb1: {  	_ =	task [dreg:s9], $0x5FFFF  }
0xb2: {  	[dreg:$0x1] =	wrdreg $0xFFFFFFFF  }
0xb3: {  	[dreg:$0x0] =	wrdreg $0x60  }
0xb4: {  	[dreg:$0x2] =	wrdreg s24  }
0xb5: {  	[dreg:$0x3] =	wrdreg s15  }
0xb6: {  	[dreg:$0x4] =	wrdreg s17  }
0xb7: {  	[dreg:$0x5] =	wrdreg s16  }
0xb8: {  	[dreg:$0x6] =	wrdreg $0x132E00  }
0xb9: {  	[dreg:$0x7] =	wrdreg $0x9  }
0xba: {  	_ =	task.clear_ibuf [dreg:s9], $0x8FFFF;
	_ =	strace $0x90000046  }
0xbb: {  	s29 =	simm.s32 $0x9;
	_ =	strace $0x80000048  }
0xbc: {  	_ =	swait.ge [sflag:s29], $0x1  }
0xbd: {  	[sflag:s29] =	ssyncadd.s32 $0xFFFFFFFF  }
0xbe: {  	_ =	strace $0x90000048  }
0xbf: {  	_ =	sfence  }
0xc0: {  	s30 =	sld [smem:$0x0];
	_ =	sdelay $0x2  }
0xc1: {  	s31 =	sshll.u32 s1, $0xD;
	s1 =	sshrl.u32 s1, $0x2  }
0xc2: {  	s3 =	sand.u32 $0x4000, s31;
	s1 =	sadd.s32 s1, s30  }
0xc3: {  	s0 =	sor.u32 s3, s0;
	s1 =	sshll.u32 s1, $0x11  }
0xc4: {  	s0 =	sor.u32 s1, s0  }
0xc5: {  	s0 =	sadd.s32 $0x8F2B, s0  }
0xc6: {  	[sflag:s0] =	ssyncadd.remote.s32 $0x1  }
0xc7: {  	_ =	sfence.sel $0xFFFF  }
0xc8: {  	[dreg:$0x0] =	wrdreg $0xFFFFFFFF;
	(pc) =	sbr.abs _section_cstart, $3  }
0xc9: {  	[dreg:$0x1] =	wrdreg $0xFFFFFFFF  }
0xca: {  	_ =	task.clear_ibuf [dreg:s9], $0x2FFFF;
	_ =	strace $0x9FFFFFFF  }
0xcb: {  	(tm) =	ssettm $0x7FFFFFFF  }
tec
execute0_lowered:
.L_overlay_start_1:
0x0: {  	(tag) =	ssettag $0x1  }
0x1: {  	s2 =	rddreg [dreg:$0x0]  }
0x2: {  	s1 =	rddreg [dreg:$0x1]  }
0x3: {  	s28 =	rddreg [dreg:$0x2]  }
0x4: {  	s3 =	rddreg [dreg:$0x3]  }
0x5: {  	s20 =	rddreg [dreg:$0x4];
	s4 =	stileid.u32  }
0x6: {  	s0 =	srdreg.scid;
	s5 =	simm.s32 $0x0;
	s6 =	smul.u32 $0x4E20, s4  }
0x7: {  	s29 =	simm.s32 $0x1;
	s0 =	sand.u32 $0x1, s0;
	s11 =	smul.u32 $0x280, s4  }
0x8: {  	[smem:$0x7FF] =	sst s5;
	s7 =	sadd.s32 $0x4A00, s2;
	s12 =	smul.u32 $0x32000, s4  }
0x9: {  	s8 =	sadd.s32 $0x35800, s2;
	s9 =	sadd.s32 $0xEAAA00, s2;
	s19 =	smul.u32 $0xA000, s4  }
0xa: {  	p1 =	seq.s32 s4, $0xF;
	s10 =	smul.u32 $0x4E200, s0;
	_ =	strace $0x80000047  }
0xb: {  	s14 =	ssub.s32 $0x2, s0;
	s25 =	smul.u32 $0x9C400, s0;
	p0 =	sne.s32 s0, $0x0  }
0xc: {  	s13 =	sor.u32 $0x50, s11;
	s16 =	sadd.s32 $0xA0, s11;
	s17 =	sshrl.u32 s14, $0x1  }
0xd: {  	s26 =	sshrl.u32 s12, $0x2;
	s11 =	sshll.u32 s11, $0x6;
	s15 =	smul.u32 $0x140, s13  }
0xe: {  	s10 =	sadd.s32 s6, s10;
	s18 =	smul.u32 $0x140, s16;
	s26 =	sadd.s32 s26, s20  }
0xf: {  	s19 =	sadd.s32 s19, s25;
	s13 =	sshll.u32 s13, $0x6;
	s21 =	sshll.u32 s16, $0x6  }
0x10: {  	s11 =	sadd.s32 s25, s11;
	s10 =	sshrl.u32 s10, $0x3;
	s13 =	sadd.s32 s25, s13  }
0x11: {  	s22 =	sadd.s32 s25, s21;
	s23 =	sadd.s32 $0x5000, s11;
	s16 =	sadd.s32 $0x6400, s11  }
0x12: {  	s21 =	sadd.s32 $0x19000, s12;
	[dreg:$0x6] =	wrdreg s26;
	s10 =	sadd.s32 s10, s2  }
0x13: {  	s2 =	ssub.s32 s14, s17;
	s15 =	sshrl.u32 s15, $0x2;
	s18 =	sshrl.u32 s18, $0x2  }
0x14: {  	s13 =	sshrl.u32 s13, $0x3;
	s14 =	sadd.s32 $0x3C00, s11;
	s25 =	sshrl.u32 s23, $0x3  }
0x15: {  	s17 =	sadd.s32 $0x7800, s11;
	s11 =	sadd.s32 $0x8C00, s11;
	s23 =	sshrl.u32 s21, $0x2  }
0x16: {  	s30 =	sadd.s32 s15, s20;
	s15 =	sadd.s32 s18, s20;
	s13 =	sadd.s32 s3, s13  }
0x17: {  	s24 =	sshrl.u32 s14, $0x3;
	s18 =	sshrl.u32 s17, $0x3;
	[dreg:$0x8] =	wrdreg s15  }
0x18: {  	s11 =	sshrl.u32 s11, $0x3;
	s21 =	sadd.s32 $0x7A000, s10;
	[dreg:$0xa] =	wrdreg s13  }
0x19: {  	s15 =	sshrl.u32 s19, $0x3;
	s13 =	sshrl.u32 s22, $0x3;
	[dreg:$0x17] =	wrdreg s21  }
0x1a: {  	s19 =	sadd.s32 $0x12C00, s12;
	[dreg:$0x7] =	wrdreg s30;
	s15 =	sadd.s32 s3, s15  }
0x1b: {  	s22 =	sadd.s32 $0x1F400, s12;
	s13 =	sadd.s32 s3, s13;
	[dreg:$0x9] =	wrdreg s15  }
0x1c: {  	s21 =	simm.s32 $0x4;
	[dreg:$0xb] =	wrdreg s13;
	s13 =	sadd.s32 s3, s24  }
0x1d: {  	s15 =	sadd.s32 s3, s25;
	s24 =	sshrl.u32 s22, $0x2;
	[dreg:$0xc] =	wrdreg s13  }
0x1e: {  	[dreg:$0xd] =	wrdreg s15;
	s13 =	sshrl.u32 s16, $0x3;
	s25 =	sadd.s32 s24, s20  }
0x1f: {  	s24 =	smul.u32 $0x186A000, s0;
	s13 =	sadd.s32 s3, s13;
	[dreg:$0x13] =	wrdreg s25  }
0x20: {  	s16 =	smul.u32 $0x4E200, s4;
	s25 =	smax.u32 s2, $0x1;
	[dreg:$0xe] =	wrdreg s13  }
0x21: {  	s13 =	sadd.s32 s3, s18;
	s3 =	sadd.s32 s3, s11;
	s11 =	sadd.s32 $0x25800, s12  }
0x22: {  	s18 =	smul.u32 $0x186A00, s4;
	s22 =	sshrl.u32 s16, $0x3;
	[dreg:$0x1a] =	wrdreg s25  }
0x23: {  	s4 =	smov.u32 s20;
	s25 =	simm.s32 $0x4E20;
	[dreg:$0xf] =	wrdreg s13  }
0x24: {  	s16 =	simm.s32 $0x9C90;
	[dreg:$0x10] =	wrdreg s3;
	s3 =	sshrl.u32 s19, $0x2  }
0x25: {  	s13 =	sadd.s32 $0x2BC00, s12;
	s14 =	sshrl.u32 s11, $0x2;
	s19 =	sadd.s32 $0x66600, s10  }
0x26: {  	s11 =	simm.s32 $0x5;
	s12 =	simm.s32 $0x2;
	s10 =	simm.s32 $0x0  }
0x27: {  	s3 =	sadd.s32 s3, s20;
	s15 =	sshrl.u32 s13, $0x2;
	[dreg:$0x16] =	wrdreg s19  }
0x28: {  	s0 =	sadd.s32 s14, s20;
	s13 =	simm.s32 $0x100E0;
	[dreg:$0x11] =	wrdreg s3  }
0x29: {  	s19 =	simm.s32 $0x9C40;
	s3 =	sadd.s32 s23, s20;
	[dreg:$0x14] =	wrdreg s0  }
0x2a: {  	s17 =	sadd.s32 s15, s20;
	s0 =	sadd.s32 s18, s24;
	s23 =	sshrl.u32 s6, $0x3  }
.Ltmp0:
0x2b: {  	s15 =	simm.s32 $0x3;
	[dreg:$0x12] =	wrdreg s3;
	(pc) =	sbr.rel .LBB2_1-.Ltmp0, $4  }
0x2c: {  	[dreg:$0x15] =	wrdreg s17;
	s3 =	sadd.s32 s28, s22;
	s18 =	sadd.s32 s1, s23  }
0x2d: {  	s0 =	sshrl.u32 s0, $0x3;
	s17 =	simm.s32 $0x50;
	s22 =	simm.s32 $0x7  }
0x2e: {  	s23 =	simm.s32 $0x6;
	s0 =	sadd.s32 s9, s0;
	[dreg:$0x18] =	wrdreg s18  }
0x2f: {  	v0 =	vimm.f32 $0.0e+00;
	s31 =	sadd.s32 $0xA0, s3;
	[dreg:$0x19] =	wrdreg s0;
	s0 =	simm.s32 $0x8  }
.LBB2_21:
0x30: {  	_ =	swait.ge [sflag:s0], $0x1900  }
0x31: {  	[sflag:s0] =	ssyncset.done $0x0  }
0x32: {  	s2 =	simm.s32 @!p0 $0xA;
	[sflag:s0] =	ssyncadd.s32 $0xFFFFE700  }
0x33: {  	_ =	swait.ge @!p0 [sflag:s2], $0x500  }
0x34: {  	[sflag:s2] =	ssyncset.done @!p0 $0x0  }
0x35: {  	[sflag:s2] =	ssyncadd.s32 @!p0 $0xFFFFFB00  }
0x36: {  	_ =	swait.ge [sflag:s29], $0x1900  }
0x37: {  	[sflag:s29] =	ssyncset.done $0x0  }
0x38: {  	[sflag:s29] =	ssyncadd.s32 $0xFFFFE700  }
0x39: {  	_ =	swait.ge [sflag:s29], $0x1900  }
0x3a: {  	[sflag:s29] =	ssyncset.done $0x0  }
0x3b: {  	[sflag:s29] =	ssyncadd.s32 $0xFFFFE700  }
0x3c: {  	_ =	swait.ge [sflag:s15], $0x1900  }
0x3d: {  	[sflag:s15] =	ssyncset.done $0x0  }
0x3e: {  	[sflag:s15] =	ssyncadd.s32 $0xFFFFE700  }
0x3f: {  	_ =	swait.ge [sflag:s11], $0x50  }
0x40: {  	[sflag:s11] =	ssyncset.done $0x0  }
0x41: {  	[sflag:s11] =	ssyncadd.s32 $0xFFFFFFB0  }
0x42: {  	s18 =	stileid.u32;
	s14 =	simm.s32 $0xB;
	[bflag:$0x0] =	sbarrier.arrive $0xFFFF  }
0x43: {  	s2 =	sshll.u32 s18, $0x6;
	s18 =	simm.s32 $0xA;
	s26 =	rddreg [dreg:$0x6]  }
0x44: {  	s2 =	sor.u32 $0x1C0B, s2;
	s10 =	rddreg [dreg:$0x9];
	s3 =	sshrl.u32 s26, $0x3  }
0x45: {  	[hbm:s10@s0], [sflag:s2] =	dma.strided [spmem:s3@s18], $0x280, s29, $0x8   }
0x46: {  	_ =	swait.ge [sflag:s14], $0x280  }
0x47: {  	[sflag:s14] =	ssyncset.done $0x0;
	s30 =	rddreg [dreg:$0x7]  }
0x48: {  	s25 =	rddreg [dreg:$0xa];
	[sflag:s14] =	ssyncadd.s32 $0xFFFFFD80;
	s20 =	sshrl.u32 s30, $0x3  }
0x49: {  	[hbm:s25@s0], [sflag:s2] =	dma.strided [spmem:s20@s18], $0x280, s29, $0x8   }
0x4a: {  	_ =	swait.ge [sflag:s14], $0x280  }
0x4b: {  	[sflag:s14] =	ssyncset.done $0x0;
	s20 =	rddreg [dreg:$0x8]  }
0x4c: {  	s25 =	rddreg [dreg:$0xb];
	[sflag:s14] =	ssyncadd.s32 $0xFFFFFD80;
	s3 =	sshrl.u32 s20, $0x3  }
0x4d: {  	[hbm:s25@s0], [sflag:s2] =	dma.strided [spmem:s3@s18], $0x280, s29, $0x8   }
0x4e: {  	_ =	swait.ge [sflag:s14], $0x280  }
0x4f: {  	[sflag:s14] =	ssyncset.done $0x0;
	s20 =	rddreg [dreg:$0x11]  }
0x50: {  	s25 =	rddreg [dreg:$0xc];
	[sflag:s14] =	ssyncadd.s32 $0xFFFFFD80;
	s3 =	sshrl.u32 s20, $0x3  }
0x51: {  	[hbm:s25@s0], [sflag:s2] =	dma.strided [spmem:s3@s18], $0x280, s29, $0x8   }
0x52: {  	_ =	swait.ge [sflag:s14], $0x280  }
0x53: {  	[sflag:s14] =	ssyncset.done $0x0;
	s20 =	rddreg [dreg:$0x12]  }
0x54: {  	s25 =	rddreg [dreg:$0xd];
	[sflag:s14] =	ssyncadd.s32 $0xFFFFFD80;
	s3 =	sshrl.u32 s20, $0x3  }
0x55: {  	[hbm:s25@s0], [sflag:s2] =	dma.strided [spmem:s3@s18], $0x280, s29, $0x8   }
0x56: {  	_ =	swait.ge [sflag:s14], $0x280  }
0x57: {  	s10 =	simm.s32 @!p1 $0x1;
	s3 =	rddreg [dreg:$0x13]  }
0x58: {  	s20 =	simm.s32 @!p1 $0xA;
	[sflag:s14] =	ssyncset.done $0x0;
	s18 =	rddreg [dreg:$0xe]  }
0x59: {  	[sflag:s14] =	ssyncadd.s32 $0xFFFFFD80;
	s3 =	sshrl.u32 @!p1 s3, $0x3;
	s14 =	simm.s32 @!p1 $0x8  }
0x5a: {  	[hbm:s18@s14], [sflag:s2] =	dma.strided @!p1 [spmem:s3@s20], $0x280, s10, $0x8   }
0x5b: {  	s3 =	simm.s32 @!p1 $0xB  }
0x5c: {  	_ =	swait.ge @!p1 [sflag:s3], $0x280  }
0x5d: {  	[sflag:s3] =	ssyncset.done @!p1 $0x0;
	s18 =	rddreg [dreg:$0x14]  }
0x5e: {  	[sflag:s3] =	ssyncadd.s32 @!p1 $0xFFFFFD80;
	s25 =	sshrl.u32 @!p1 s18, $0x3;
	s18 =	rddreg [dreg:$0xf]  }
0x5f: {  	[hbm:s18@s14], [sflag:s2] =	dma.strided @!p1 [spmem:s25@s20], $0x280, s10, $0x8   }
0x60: {  	_ =	swait.ge @!p1 [sflag:s3], $0x280  }
0x61: {  	[sflag:s3] =	ssyncset.done @!p1 $0x0;
	s18 =	rddreg [dreg:$0x15]  }
0x62: {  	[sflag:s3] =	ssyncadd.s32 @!p1 $0xFFFFFD80;
	s25 =	sshrl.u32 @!p1 s18, $0x3;
	s18 =	rddreg [dreg:$0x10]  }
0x63: {  	[hbm:s18@s14], [sflag:s2] =	dma.strided @!p1 [spmem:s25@s20], $0x280, s10, $0x8   }
0x64: {  	_ =	swait.ge @!p1 [sflag:s3], $0x280  }
0x65: {  	s20 =	rddreg [dreg:$0x1b]  }
0x66: {  	s25 =	rddreg [dreg:$0x1a];
	s10 =	sadd.s32 $0x1, s20  }
0x67: {  	p2 =	sne.s32 s10, s25  }
.Ltmp1:
0x68: {  	_ = 	snop;
	(pc) =	sbr.rel @!p2 .LBB2_22-.Ltmp1, $3  }
0x69: {  	_ =	sdelay $0x1  }
0x6a: {  	[sflag:s3] =	ssyncset.done @!p1 $0x0  }
0x6b: {  	s18 =	rddreg [dreg:$0x18];
	[sflag:s3] =	ssyncadd.s32 @!p1 $0xFFFFFD80;
	s25 =	simm.s32 $0x4E20  }
.LBB2_1:
0x6c: {  	s2 =	simm.s32 $0x0;
	s3 =	simm.s32 $0x140  }
.LBB2_2:
0x6d: {  	p2 =	sne.s32 s3, $0x62C0;
	[tilespmem:s2+$0x11A20] =	vst v0  }
0x6e: {  	[tilespmem:s2+$0x100E0] =	vst v0  }
0x6f: {  	[tilespmem:s2+$0x119E0] =	vst v0  }
0x70: {  	[tilespmem:s2+$0x100F0] =	vst v0  }
0x71: {  	[tilespmem:s2+$0x119F0] =	vst v0  }
.Ltmp2:
0x72: {  	[tilespmem:s2+$0x10100] =	vst v0;
	(pc) =	sbr.rel @p2 .LBB2_2-.Ltmp2, $4  }
0x73: {  	[tilespmem:s2+$0x11A00] =	vst v0  }
0x74: {  	[tilespmem:s2+$0x10110] =	vst v0  }
0x75: {  	[tilespmem:s2+$0x11A10] =	vst v0  }
0x76: {  	[tilespmem:s2+$0x10120] =	vst v0;
	s2 =	sshra.s32 s3, $0x2;
	s3 =	sadd.s32 $0x140, s3  }
0x77: {  	[tilespmem:s2+$0x11A20] =	vst v0  }
0x78: {  	[tilespmem:s2+$0x100E0] =	vst v0  }
0x79: {  	[tilespmem:s2+$0x119E0] =	vst v0  }
0x7a: {  	[tilespmem:s2+$0x100F0] =	vst v0  }
0x7b: {  	[tilespmem:s2+$0x119F0] =	vst v0  }
0x7c: {  	[tilespmem:s2+$0x10100] =	vst v0  }
0x7d: {  	[tilespmem:s2+$0x11A00] =	vst v0  }
0x7e: {  	[tilespmem:s2+$0x10110] =	vst v0  }
0x7f: {  	[tilespmem:s2+$0x11A10] =	vst v0  }
0x80: {  	[dreg:$0x1b] =	wrdreg s10;
	[tilespmem:s2+$0x10120] =	vst v0;
	s3 =	simm.s32 $0xB  }
0x81: {  	[spmem:s26] =	stream.linear.scatter [tilespmem:s13], [sflag:$0xB], $0x1900, $0x38;
	[tilespmem:$0x1FAE0] =	vst v63  }
0x82: {  	_ =	swait.ge [sflag:s3], $0x1900  }
0x83: {  	[sflag:s3] =	ssyncset.done $0x0  }
0x84: {  	[sflag:s3] =	ssyncadd.s32 $0xFFFFE700  }
0x85: {  	[spmem:s30] =	stream.linear.scatter [tilespmem:s13], [sflag:$0xB], $0x1900, $0x38;
	[tilespmem:$0x1FAE0] =	vst v63  }
0x86: {  	_ =	swait.ge [sflag:s3], $0x1900  }
0x87: {  	[sflag:s3] =	ssyncset.done $0x0  }
0x88: {  	s14 =	rddreg [dreg:$0x8];
	[sflag:s3] =	ssyncadd.s32 $0xFFFFE700  }
0x89: {  	[spmem:s14] =	stream.linear.scatter [tilespmem:s13], [sflag:$0xB], $0x1900, $0x38;
	[tilespmem:$0x1FAE0] =	vst v63  }
0x8a: {  	_ =	swait.ge [sflag:s3], $0x1900  }
0x8b: {  	[sflag:s3] =	ssyncset.done $0x0  }
0x8c: {  	s20 =	rddreg [dreg:$0x11];
	[sflag:s3] =	ssyncadd.s32 $0xFFFFE700  }
0x8d: {  	[spmem:s20] =	stream.linear.scatter [tilespmem:s13], [sflag:$0xB], $0x1900, $0x38;
	[tilespmem:$0x1FAE0] =	vst v63  }
0x8e: {  	_ =	swait.ge [sflag:s3], $0x1900  }
0x8f: {  	[sflag:s3] =	ssyncset.done $0x0  }
0x90: {  	s26 =	rddreg [dreg:$0x12];
	[sflag:s3] =	ssyncadd.s32 $0xFFFFE700  }
0x91: {  	[spmem:s26] =	stream.linear.scatter [tilespmem:s13], [sflag:$0xB], $0x1900, $0x38;
	[tilespmem:$0x1FAE0] =	vst v63  }
0x92: {  	_ =	swait.ge [sflag:s3], $0x1900  }
0x93: {  	[sflag:s3] =	ssyncset.done $0x0  }
0x94: {  	s30 =	rddreg [dreg:$0x13];
	[sflag:s3] =	ssyncadd.s32 $0xFFFFE700  }
0x95: {  	[spmem:s30] =	stream.linear.scatter [tilespmem:s13], [sflag:$0xB], $0x1900, $0x38;
	[tilespmem:$0x1FAE0] =	vst v63  }
0x96: {  	_ =	swait.ge [sflag:s3], $0x1900  }
0x97: {  	[sflag:s3] =	ssyncset.done $0x0  }
0x98: {  	s10 =	rddreg [dreg:$0x14];
	[sflag:s3] =	ssyncadd.s32 $0xFFFFE700  }
0x99: {  	[spmem:s10] =	stream.linear.scatter [tilespmem:s13], [sflag:$0xB], $0x1900, $0x38;
	[tilespmem:$0x1FAE0] =	vst v63  }
0x9a: {  	_ =	swait.ge [sflag:s3], $0x1900  }
0x9b: {  	[sflag:s3] =	ssyncset.done $0x0  }
0x9c: {  	s14 =	rddreg [dreg:$0x15];
	[sflag:s3] =	ssyncadd.s32 $0xFFFFE700  }
0x9d: {  	[spmem:s14] =	stream.linear.scatter [tilespmem:s13], [sflag:$0xB], $0x1900, $0x38;
	[tilespmem:$0x1FAE0] =	vst v63  }
0x9e: {  	_ =	swait.ge [sflag:s3], $0x1900  }
0x9f: {  	[sflag:s3] =	ssyncset.done $0x0  }
0xa0: {  	s20 =	rddreg [dreg:$0x16];
	[sflag:s3] =	ssyncadd.s32 $0xFFFFE700  }
0xa1: {  	[tilespmem:s5], [sflag:$0xB] =	stream.linear.gather [hbm4b:s20+s5], $0x4E20, $0x38;
	[tilespmem:$0x1FAE0] =	vst v63  }
0xa2: {  	_ =	swait.ge [sflag:s3], $0x4E20  }
0xa3: {  	[sflag:s3] =	ssyncset.done $0x0  }
0xa4: {  	s26 =	rddreg [dreg:$0x17];
	[sflag:s3] =	ssyncadd.s32 $0xFFFFB1E0  }
0xa5: {  	[tilespmem:s25], [sflag:$0xB] =	stream.linear.gather [hbm4b:s26+s5], $0x4E20, $0x38;
	[tilespmem:$0x1FAE0] =	vst v63  }
0xa6: {  	_ =	swait.ge [sflag:s3], $0x4E20  }
0xa7: {  	[sflag:s3] =	ssyncset.done $0x0  }
0xa8: {  	[sflag:s3] =	ssyncadd.s32 $0xFFFFB1E0  }
0xa9: {  	[tilespmem:s16], [sflag:$0xB] =	stream.linear.gather [hbm4b:s18+s5], $0x50, $0x38;
	[tilespmem:$0x1FAE0] =	vst v63  }
.Ltmp3:
0xaa: {  	_ =	swait.ge [sflag:s3], $0x50;
	(pc) =	sbr.rel @p0 .LBB2_7-.Ltmp3, $4  }
0xab: {  	[sflag:s3] =	ssyncset.done $0x0  }
0xac: {  	[sflag:s3] =	ssyncadd.s32 $0xFFFFFFB0  }
0xad: {  	s30 =	simm.s32 $0x119E0;
	[bflag:$0x0] =	sbarrier.arrive $0xFFFF  }
0xae: {  	[spmem:s4] =	stream.indirect.scatter.add.f32 [tilespmem:s30], [sflag:$0x8], $0x50, s16, s17, $0xb8;
	[tilespmem:$0x1FAE0] =	vst v63  }
0xaf: {  	s2 =	simm.s32 $0x11A20  }
0xb0: {  	s3 =	simm.s32 $0x2;
	s20 =	sadd.s32 $0x0, s31;
	s10 =	simm.s32 $0x11A70  }
.LBB2_5:
0xb1: {  	[hbm4b:s20+s5] =	stream.linear.scatter [tilespmem:s2], [sflag:$0xA], $0x10, $0x38;
	[tilespmem:$0x1FAE0] =	vst v63  }
0xb2: {  	s14 =	smov.u32 s3;
	s2 =	smov.u32 s10;
	p2 =	sne.s32 s3, $0x9E  }
.Ltmp4:
0xb3: {  	s3 =	sadd.s32 $0x2, s3;
	(pc) =	sbr.rel @p2 .LBB2_5-.Ltmp4, $2  }
0xb4: {  	_ =	sdelay $0x2  }
0xb5: {  	s10 =	sadd.s32 $0x50, s10;
	s20 =	sadd.s32 s14, s31  }
0xb6: {  	[hbm4b:s20+s5] =	stream.linear.scatter [tilespmem:s2], [sflag:$0xA], $0x10, $0x38;
	[tilespmem:$0x1FAE0] =	vst v63  }
.LBB2_7:
0xb7: {  	s30 =	simm.s32 $0x0  }
0xb8: {  	[tilespmem:s19], [sflag:$0x5] =	stream.linear.gather [hbm4b:s18+s30], $0x50, $0x38;
	[tilespmem:$0x1FAE0] =	vst v63  }
0xb9: {  	s2 =	simm.s32 $0x9CE0  }
0xba: {  	[tilespmem:s2], [sflag:$0x1] =	stream.indirect.gather [hbm4b:s7+s17], $0x50, s30, s17, $0xb8;
	[tilespmem:$0x1FAE0] =	vst v63  }
.Ltmp5:
0xbb: {  	_ = 	snop;
	(pc) =	sbr.rel .LBB2_8-.Ltmp5, $4  }
0xbc: {  	s20 =	simm.s32 $0xCEE0  }
0xbd: {  	[tilespmem:s20], [sflag:$0x1] =	stream.indirect.gather [hbm4b:s8+s17], $0x50, s25, s17, $0xb8;
	[tilespmem:$0x1FAE0] =	vst v63  }
0xbe: {  	s26 =	rddreg [dreg:$0x19];
	s18 =	simm.s32 $0x119E0;
	s25 =	simm.s32 $0x0  }
0xbf: {  	[tilespmem:s13], [sflag:$0x3] =	stream.linear.gather [hbm4b:s26+s30], $0x1900, $0x38;
	[tilespmem:$0x1FAE0] =	vst v63  }
.LBB2_20:
0xc0: {  	s25 =	sadd.s32 $0x1, s25  }
0xc1: {  	p2 =	sne.s32 s25, $0x7D  }
.Ltmp6:
0xc2: {  	_ = 	snop;
	(pc) =	sbr.rel @!p2 .LBB2_21-.Ltmp6, $1  }
0xc3: {  	_ =	sdelay $0x3  }
.LBB2_8:
0xc4: {  	_ =	swait.ge [sflag:s29], $0x1900  }
0xc5: {  	[sflag:s29] =	ssyncset.done $0x0  }
0xc6: {  	[sflag:s29] =	ssyncadd.s32 $0xFFFFE700  }
0xc7: {  	_ =	swait.ge [sflag:s29], $0x1900  }
0xc8: {  	[sflag:s29] =	ssyncset.done $0x0  }
0xc9: {  	[sflag:s29] =	ssyncadd.s32 $0xFFFFE700  }
0xca: {  	_ =	swait.ge [sflag:s15], $0x1900  }
0xcb: {  	[sflag:s15] =	ssyncset.done $0x0  }
0xcc: {  	[sflag:s15] =	ssyncadd.s32 $0xFFFFE700  }
0xcd: {  	s3 =	smul.u32 $0xA0, s25;
	_ =	swait.ge [sflag:s0], $0x1900  }
0xce: {  	[sflag:s0] =	ssyncset.done $0x0  }
0xcf: {  	s2 =	simm.s32 @!p0 $0xA;
	s10 =	sadd.s32 $0x50, s3;
	[sflag:s0] =	ssyncadd.s32 $0xFFFFE700  }
0xd0: {  	s26 =	sadd.s32 s6, s10;
	_ =	swait.ge @!p0 [sflag:s2], $0x500  }
0xd1: {  	s14 =	sshrl.u32 s26, $0x3;
	[sflag:s2] =	ssyncset.done @!p0 $0x0  }
0xd2: {  	s14 =	sadd.s32 s1, s14;
	[sflag:s2] =	ssyncadd.s32 @!p0 $0xFFFFFB00  }
0xd3: {  	[tilespmem:s16], [sflag:$0x6] =	stream.linear.gather [hbm4b:s14+s30], $0x50, $0x38;
	[tilespmem:$0x1FAE0] =	vst v63  }
0xd4: {  	s20 =	simm.s32 $0xB5E0  }
0xd5: {  	[tilespmem:s20], [sflag:$0x2] =	stream.indirect.gather [hbm4b:s7+s17], $0x50, s10, s17, $0xb8;
	[tilespmem:$0x1FAE0] =	vst v63  }
0xd6: {  	s14 =	sadd.s32 $0x4E70, s3;
	s10 =	smul.u32 $0x50, s26;
	s20 =	simm.s32 $0xE7E0  }
0xd7: {  	[tilespmem:s20], [sflag:$0x2] =	stream.indirect.gather [hbm4b:s8+s17], $0x50, s14, s17, $0xb8;
	[tilespmem:$0x1FAE0] =	vst v63  }
0xd8: {  	s20 =	sadd.s32 s24, s10  }
0xd9: {  	s2 =	sshrl.u32 s20, $0x3  }
0xda: {  	s10 =	simm.s32 $0x0;
	s2 =	sadd.s32 s9, s2  }
0xdb: {  	[tilespmem:s18], [sflag:$0x4] =	stream.linear.gather [hbm4b:s2+s30], $0x1900, $0x38;
	[tilespmem:$0x1FAE0] =	vst v63  }
0xdc: {  	v3 =	vld [tilespmem:s10+$0xCEE0]  }
0xdd: {  	v2 =	vld [tilespmem:s10+$0xCEF0]  }
0xde: {  	v1 =	vld [tilespmem:s10+$0xCF00]  }
0xdf: {  	v8 =	vld [tilespmem:s10+$0x9CE0]  }
0xe0: {  	v7 =	vld [tilespmem:s10+$0x9CF0]  }
0xe1: {  	v5 =	vld [tilespmem:s10+$0x9D00]  }
0xe2: {  	v6 =	vld [tilespmem:s10+$0x9D10]  }
0xe3: {  	v4 =	vld [tilespmem:s10+$0x9D20]  }
0xe4: {  	v12 =	vld [tilespmem:s10+$0x100E0]  }
0xe5: {  	v11 =	vld [tilespmem:s10+$0x100F0]  }
0xe6: {  	v10 =	vld [tilespmem:s10+$0x10100]  }
0xe7: {  	s20 =	simm.s32 $0x140;
	s2 =	sshll.u32 s25, $0x1;
	v9 =	vld [tilespmem:s10+$0x10110]  }
.LBB2_9:
0xe8: {  	p2 =	sne.s32 s20, $0x62C0;
	v13 =	vld [tilespmem:s10+$0x10120]  }
0xe9: {  	v8 =	vadd.f32 v8, v12;
	v12 =	vld [tilespmem:s10+$0xCF10]  }
0xea: {  	s14 =	sshra.s32 s20, $0x2;
	v7 =	vadd.f32 v7, v11;
	v11 =	vld [tilespmem:s10+$0xCF20]  }
0xeb: {  	v14 =	vadd.f32 v3, v8;
	v3 =	vld [tilespmem:s14+$0xCEE0];
	v5 =	vadd.f32 v5, v10  }
0xec: {  	v10 =	vadd.f32 v2, v7;
	v2 =	vld [tilespmem:s14+$0xCEF0];
	v6 =	vadd.f32 v6, v9  }
0xed: {  	v9 =	vmul.f32 $9.999999770e-03, v14;
	v15 =	vadd.f32 v1, v5;
	v1 =	vld [tilespmem:s14+$0xCF00];
	v4 =	vadd.f32 v4, v13  }
0xee: {  	v8 =	vld [tilespmem:s14+$0x9CE0];
	v13 =	vmul.f32 $9.999999770e-03, v10;
	v12 =	vadd.f32 v12, v6  }
0xef: {  	v7 =	vld [tilespmem:s14+$0x9CF0];
	v6 =	vmax.f32 v14, v9;
	v9 =	vmul.f32 $9.999999770e-03, v15;
	v11 =	vadd.f32 v11, v4  }
0xf0: {  	v5 =	vld [tilespmem:s14+$0x9D00];
	[tilespmem:s10+$0x100E0] =	vst v6;
	v4 =	vmax.f32 v10, v13;
	v10 =	vmul.f32 $9.999999770e-03, v12  }
0xf1: {  	v6 =	vld [tilespmem:s14+$0x9D10];
	[tilespmem:s10+$0x100F0] =	vst v4;
	v9 =	vmax.f32 v15, v9;
	v13 =	vmul.f32 $9.999999770e-03, v11  }
.Ltmp7:
0xf2: {  	v4 =	vld [tilespmem:s14+$0x9D20];
	[tilespmem:s10+$0x10100] =	vst v9;
	v9 =	vmax.f32 v12, v10;
	(pc) =	sbr.rel @p2 .LBB2_9-.Ltmp7, $4  }
0xf3: {  	v12 =	vld [tilespmem:s14+$0x100E0];
	[tilespmem:s10+$0x10110] =	vst v9;
	v9 =	vmax.f32 v11, v13  }
0xf4: {  	v11 =	vld [tilespmem:s14+$0x100F0];
	[tilespmem:s10+$0x10120] =	vst v9;
	s10 =	smov.u32 s14  }
0xf5: {  	v10 =	vld [tilespmem:s10+$0x10100]  }
0xf6: {  	s20 =	sadd.s32 $0x140, s20;
	v9 =	vld [tilespmem:s10+$0x10110]  }
0xf7: {  	v13 =	vld [tilespmem:s10+$0x10120]  }
0xf8: {  	v59 =	vld [tilespmem:s10+$0xCF10];
	v8 =	vadd.f32 v8, v12  }
0xf9: {  	v60 =	vld [tilespmem:s10+$0xCF20];
	v7 =	vadd.f32 v7, v11  }
0xfa: {  	v3 =	vadd.f32 v3, v8;
	v5 =	vadd.f32 v5, v10  }
0xfb: {  	v2 =	vadd.f32 v2, v7;
	v6 =	vadd.f32 v6, v9  }
0xfc: {  	v61 =	vmul.f32 $9.999999770e-03, v3;
	v1 =	vadd.f32 v1, v5;
	v4 =	vadd.f32 v4, v13  }
0xfd: {  	v62 =	vmul.f32 $9.999999770e-03, v2;
	v6 =	vadd.f32 v59, v6  }
0xfe: {  	v3 =	vmax.f32 v3, v61;
	v63 =	vmul.f32 $9.999999770e-03, v1;
	v4 =	vadd.f32 v60, v4  }
0xff: {  	[tilespmem:s10+$0x100E0] =	vst v3;
	v2 =	vmax.f32 v2, v62;
	v3 =	vmul.f32 $9.999999770e-03, v6  }
0x100: {  	[tilespmem:s10+$0x100F0] =	vst v2;
	v1 =	vmax.f32 v1, v63;
	v2 =	vmul.f32 $9.999999770e-03, v4  }
0x101: {  	[tilespmem:s10+$0x10100] =	vst v1;
	v1 =	vmax.f32 v6, v3  }
0x102: {  	[tilespmem:s10+$0x10110] =	vst v1;
	v1 =	vmax.f32 v4, v2  }
.Ltmp8:
0x103: {  	[tilespmem:s10+$0x10120] =	vst v1;
	(pc) =	sbr.rel @p0 .LBB2_14-.Ltmp8, $4  }
0x104: {  	_ =	swait.ge [sflag:s11], $0x50  }
0x105: {  	[sflag:s11] =	ssyncset.done $0x0  }
0x106: {  	[sflag:s11] =	ssyncadd.s32 $0xFFFFFFB0  }
0x107: {  	[spmem:s4] =	stream.indirect.scatter.add.f32 [tilespmem:s13], [sflag:$0x7], $0x50, s19, s17, $0xb8;
	[tilespmem:$0x1FAE0] =	vst v63  }
0x108: {  	s3 =	sadd.s32 s6, s3  }
0x109: {  	s18 =	smov.u32 s4;
	s4 =	smov.u32 s1;
	s3 =	sshll.u32 s3, $0x1  }
0x10a: {  	s1 =	smov.u32 s28;
	s10 =	simm.s32 $0x10120;
	s3 =	sadd.s32 s28, s3  }
0x10b: {  	s20 =	simm.s32 $0x2;
	s28 =	simm.s32 $0x10170;
	s14 =	sadd.s32 $0x0, s3  }
.LBB2_12:
0x10c: {  	[hbm4b:s14+s5] =	stream.linear.scatter [tilespmem:s10], [sflag:$0x9], $0x10, $0x38;
	[tilespmem:$0x1FAE0] =	vst v63  }
0x10d: {  	s14 =	smov.u32 s20;
	s10 =	smov.u32 s28;
	p2 =	sne.s32 s20, $0x9E  }
.Ltmp9:
0x10e: {  	s20 =	sadd.s32 $0x2, s20;
	(pc) =	sbr.rel @p2 .LBB2_12-.Ltmp9, $2  }
0x10f: {  	_ =	sdelay $0x2  }
0x110: {  	s28 =	sadd.s32 $0x50, s28;
	s14 =	sadd.s32 s14, s3  }
0x111: {  	[hbm4b:s14+s5] =	stream.linear.scatter [tilespmem:s10], [sflag:$0x9], $0x10, $0x38;
	[tilespmem:$0x1FAE0] =	vst v63  }
0x112: {  	s28 =	smov.u32 s1  }
0x113: {  	s1 =	smov.u32 s4;
	s4 =	smov.u32 s18;
	s18 =	simm.s32 $0x119E0  }
.LBB2_14:
0x114: {  	_ =	swait.ge [sflag:s12], $0x1900  }
0x115: {  	[sflag:s12] =	ssyncset.done $0x0  }
0x116: {  	[sflag:s12] =	ssyncadd.s32 $0xFFFFE700  }
0x117: {  	_ =	swait.ge [sflag:s12], $0x1900  }
0x118: {  	[sflag:s12] =	ssyncset.done $0x0  }
0x119: {  	[sflag:s12] =	ssyncadd.s32 $0xFFFFE700  }
0x11a: {  	_ =	swait.ge [sflag:s21], $0x1900  }
0x11b: {  	[sflag:s21] =	ssyncset.done $0x0  }
0x11c: {  	s2 =	smin.u32 s2, $0xF7;
	[sflag:s21] =	ssyncadd.s32 $0xFFFFE700  }
0x11d: {  	s2 =	smul.u32 $0x50, s2;
	_ =	swait.ge [sflag:s22], $0x1900  }
0x11e: {  	[sflag:s22] =	ssyncset.done $0x0  }
0x11f: {  	s3 =	simm.s32 @!p0 $0x9;
	s10 =	sadd.s32 $0xA0, s2;
	[sflag:s22] =	ssyncadd.s32 $0xFFFFE700  }
0x120: {  	s14 =	sadd.s32 s6, s10;
	_ =	swait.ge @!p0 [sflag:s3], $0x500  }
0x121: {  	s20 =	sshrl.u32 s14, $0x3;
	[sflag:s3] =	ssyncset.done @!p0 $0x0  }
0x122: {  	[sflag:s3] =	ssyncadd.s32 @!p0 $0xFFFFFB00;
	s3 =	sadd.s32 s1, s20;
	s20 =	simm.s32 $0x0  }
0x123: {  	[tilespmem:s19], [sflag:$0x5] =	stream.linear.gather [hbm4b:s3+s20], $0x50, $0x38;
	[tilespmem:$0x1FAE0] =	vst v63  }
0x124: {  	s3 =	simm.s32 $0x9CE0  }
0x125: {  	[tilespmem:s3], [sflag:$0x1] =	stream.indirect.gather [hbm4b:s7+s17], $0x50, s10, s17, $0xb8;
	[tilespmem:$0x1FAE0] =	vst v63  }
0x126: {  	s2 =	sadd.s32 $0x4EC0, s2;
	s3 =	smul.u32 $0x50, s14;
	s14 =	simm.s32 $0xCEE0  }
0x127: {  	[tilespmem:s14], [sflag:$0x1] =	stream.indirect.gather [hbm4b:s8+s17], $0x50, s2, s17, $0xb8;
	[tilespmem:$0x1FAE0] =	vst v63  }
0x128: {  	s14 =	sadd.s32 s24, s3  }
0x129: {  	s2 =	sshrl.u32 s14, $0x3  }
0x12a: {  	s2 =	sadd.s32 s9, s2  }
0x12b: {  	[tilespmem:s13], [sflag:$0x3] =	stream.linear.gather [hbm4b:s2+s20], $0x1900, $0x38;
	[tilespmem:$0x1FAE0] =	vst v63  }
0x12c: {  	s2 =	simm.s32 $0x0  }
0x12d: {  	v3 =	vld [tilespmem:s2+$0xE7E0]  }
0x12e: {  	v2 =	vld [tilespmem:s2+$0xE7F0]  }
0x12f: {  	v1 =	vld [tilespmem:s2+$0xE800]  }
0x130: {  	v8 =	vld [tilespmem:s2+$0xB5E0]  }
0x131: {  	v7 =	vld [tilespmem:s2+$0xB5F0]  }
0x132: {  	v5 =	vld [tilespmem:s2+$0xB600]  }
0x133: {  	v6 =	vld [tilespmem:s2+$0xB610]  }
0x134: {  	v4 =	vld [tilespmem:s2+$0xB620]  }
0x135: {  	v12 =	vld [tilespmem:s2+$0x119E0]  }
0x136: {  	v11 =	vld [tilespmem:s2+$0x119F0]  }
0x137: {  	v10 =	vld [tilespmem:s2+$0x11A00]  }
0x138: {  	s3 =	simm.s32 $0x140;
	v9 =	vld [tilespmem:s2+$0x11A10]  }
.LBB2_15:
0x139: {  	p2 =	sne.s32 s3, $0x62C0;
	v13 =	vld [tilespmem:s2+$0x11A20]  }
0x13a: {  	v8 =	vadd.f32 v8, v12;
	v12 =	vld [tilespmem:s2+$0xE810]  }
0x13b: {  	s10 =	sshra.s32 s3, $0x2;
	v7 =	vadd.f32 v7, v11;
	v11 =	vld [tilespmem:s2+$0xE820]  }
0x13c: {  	v14 =	vadd.f32 v3, v8;
	v3 =	vld [tilespmem:s10+$0xE7E0];
	v5 =	vadd.f32 v5, v10  }
0x13d: {  	v10 =	vadd.f32 v2, v7;
	v2 =	vld [tilespmem:s10+$0xE7F0];
	v6 =	vadd.f32 v6, v9  }
0x13e: {  	v9 =	vmul.f32 $9.999999770e-03, v14;
	v15 =	vadd.f32 v1, v5;
	v1 =	vld [tilespmem:s10+$0xE800];
	v4 =	vadd.f32 v4, v13  }
0x13f: {  	v8 =	vld [tilespmem:s10+$0xB5E0];
	v13 =	vmul.f32 $9.999999770e-03, v10;
	v12 =	vadd.f32 v12, v6  }
0x140: {  	v7 =	vld [tilespmem:s10+$0xB5F0];
	v6 =	vmax.f32 v14, v9;
	v9 =	vmul.f32 $9.999999770e-03, v15;
	v11 =	vadd.f32 v11, v4  }
0x141: {  	v5 =	vld [tilespmem:s10+$0xB600];
	[tilespmem:s2+$0x119E0] =	vst v6;
	v4 =	vmax.f32 v10, v13;
	v10 =	vmul.f32 $9.999999770e-03, v12  }
0x142: {  	v6 =	vld [tilespmem:s10+$0xB610];
	[tilespmem:s2+$0x119F0] =	vst v4;
	v9 =	vmax.f32 v15, v9;
	v13 =	vmul.f32 $9.999999770e-03, v11  }
.Ltmp10:
0x143: {  	v4 =	vld [tilespmem:s10+$0xB620];
	[tilespmem:s2+$0x11A00] =	vst v9;
	v9 =	vmax.f32 v12, v10;
	(pc) =	sbr.rel @p2 .LBB2_15-.Ltmp10, $4  }
0x144: {  	v12 =	vld [tilespmem:s10+$0x119E0];
	[tilespmem:s2+$0x11A10] =	vst v9;
	v9 =	vmax.f32 v11, v13  }
0x145: {  	v11 =	vld [tilespmem:s10+$0x119F0];
	[tilespmem:s2+$0x11A20] =	vst v9;
	s2 =	smov.u32 s10  }
0x146: {  	v10 =	vld [tilespmem:s2+$0x11A00]  }
0x147: {  	s3 =	sadd.s32 $0x140, s3;
	v9 =	vld [tilespmem:s2+$0x11A10]  }
0x148: {  	v13 =	vld [tilespmem:s2+$0x11A20]  }
0x149: {  	v59 =	vld [tilespmem:s2+$0xE810];
	v8 =	vadd.f32 v8, v12  }
0x14a: {  	v60 =	vld [tilespmem:s2+$0xE820];
	v7 =	vadd.f32 v7, v11  }
0x14b: {  	v3 =	vadd.f32 v3, v8;
	v5 =	vadd.f32 v5, v10  }
0x14c: {  	v2 =	vadd.f32 v2, v7;
	v6 =	vadd.f32 v6, v9  }
0x14d: {  	v61 =	vmul.f32 $9.999999770e-03, v3;
	v1 =	vadd.f32 v1, v5;
	v4 =	vadd.f32 v4, v13  }
0x14e: {  	v62 =	vmul.f32 $9.999999770e-03, v2;
	v6 =	vadd.f32 v59, v6  }
0x14f: {  	v3 =	vmax.f32 v3, v61;
	v63 =	vmul.f32 $9.999999770e-03, v1;
	v4 =	vadd.f32 v60, v4  }
0x150: {  	[tilespmem:s2+$0x119E0] =	vst v3;
	v2 =	vmax.f32 v2, v62;
	v3 =	vmul.f32 $9.999999770e-03, v6  }
0x151: {  	[tilespmem:s2+$0x119F0] =	vst v2;
	v1 =	vmax.f32 v1, v63;
	v2 =	vmul.f32 $9.999999770e-03, v4  }
0x152: {  	[tilespmem:s2+$0x11A00] =	vst v1;
	v1 =	vmax.f32 v6, v3  }
0x153: {  	[tilespmem:s2+$0x11A10] =	vst v1;
	v1 =	vmax.f32 v4, v2  }
.Ltmp11:
0x154: {  	[tilespmem:s2+$0x11A20] =	vst v1;
	(pc) =	sbr.rel @p0 .LBB2_20-.Ltmp11, $4  }
0x155: {  	_ =	swait.ge [sflag:s23], $0x50  }
0x156: {  	[sflag:s23] =	ssyncset.done $0x0  }
0x157: {  	[sflag:s23] =	ssyncadd.s32 $0xFFFFFFB0  }
0x158: {  	[spmem:s4] =	stream.indirect.scatter.add.f32 [tilespmem:s18], [sflag:$0x8], $0x50, s16, s17, $0xb8;
	[tilespmem:$0x1FAE0] =	vst v63  }
0x159: {  	s2 =	sshll.u32 s26, $0x1  }
0x15a: {  	s3 =	simm.s32 $0x11A20;
	s2 =	sadd.s32 s28, s2  }
0x15b: {  	s10 =	simm.s32 $0x2;
	s20 =	simm.s32 $0x11A70;
	s14 =	sadd.s32 $0x0, s2  }
.LBB2_18:
0x15c: {  	[hbm4b:s14+s5] =	stream.linear.scatter [tilespmem:s3], [sflag:$0xA], $0x10, $0x38;
	[tilespmem:$0x1FAE0] =	vst v63  }
0x15d: {  	s14 =	smov.u32 s10;
	s3 =	smov.u32 s20;
	p2 =	sne.s32 s10, $0x9E  }
.Ltmp12:
0x15e: {  	s10 =	sadd.s32 $0x2, s10;
	(pc) =	sbr.rel @p2 .LBB2_18-.Ltmp12, $2  }
0x15f: {  	_ =	sdelay $0x2  }
0x160: {  	s20 =	sadd.s32 $0x50, s20;
	s14 =	sadd.s32 s14, s2  }
.Ltmp13:
0x161: {  	(pc) =	sbr.rel .LBB2_20-.Ltmp13, $2  }
0x162: {  	_ =	sdelay $0x2  }
0x163: {  	[hbm4b:s14+s5] =	stream.linear.scatter [tilespmem:s3], [sflag:$0xA], $0x10, $0x38;
	[tilespmem:$0x1FAE0] =	vst v63  }
.LBB2_22:
0x164: {  	_ =	sfence.sel $0x180000  }
0x165: {  	[bflag:$0x0] =	sbarrier.arrive $0xFFFF  }
0x166: {  	_ =	strace $0x90000047  }
0x167: {  	s0 =	stileid.u32;
	[bflag:$0x2] =	sbarrier.arrive $0xFFFF  }
0x168: {  	p0 =	sne.s32 s0, $0x0;
	s0 =	rddreg [dreg:$0x5]  }
0x169: {  	s0 =	sadd.s32 @!p0 $0x100000, s0  }
0x16a: {  	[sflag:s0] =	ssyncadd.tile.s32 @!p0 $0x1;
	_ =	shalt  }
.Lfunc_end2:
_tile_overlayer_lowered:
.L_overlay_start_2:
0x16b: {  	(tag) =	ssettag $0x2  }
0x16c: {  	s0 =	rddreg [dreg:$0x0];
	s2 =	stileid.u32  }
0x16d: {  	s1 =	rddreg [dreg:$0x1];
	p0 =	sne.s32 s2, $0x0  }
0x16e: {  	s3 =	rddreg [dreg:$0x2];
	[bflag:$0x3] =	sbarrier.arrive $0xFFFF;
	s2 =	simm.s32 @!p0 $0x1C0B  }
0x16f: {  	[timem:s3], [sflag:s2] =	dma.local @!p0 [hbm:s0], s1  }
0x170: {  	s0 =	simm.s32 @!p0 $0xB  }
0x171: {  	_ =	swait.ge @!p0 [sflag:s0], s1  }
0x172: {  	s1 =	ssub.s32 @!p0 $0x0, s1;
	[sflag:s0] =	ssyncset.done @!p0 $0x0  }
0x173: {  	[sflag:s0] =	ssyncadd.s32 @!p0 s1  }
0x174: {  	[bflag:$0x3] =	sbarrier.arrive $0xFFFF  }
0x175: {  	_ =	shalt  }

</sc_bundles>
